<compile_context>
chip_gen: v7x
topology: tpu7x:2x2x1
jax: 0.10.2.dev20260603
libtpu: 0.0.44.dev20260713+nightly
codegen_flags: <defaults>
</compile_context>

<pallas_src>
import functools

import jax
import jax.numpy as jnp
from jax import lax
from jax.experimental import pallas as pl
from jax.experimental.pallas import tpu as pltpu
from jax.experimental.pallas import tpu_sc as plsc

KERNEL = 512
NUM_WORKERS = 32
LANES = 16


@functools.cache
def _make_sc_gather(n_tok, vocab, emb_d):
    n_win = n_tok // KERNEL
    per_w_win = n_win // NUM_WORKERS
    per_w_tok = per_w_win * KERNEL
    grp = KERNEL // LANES
    assert n_win % NUM_WORKERS == 0
    mesh = plsc.VectorSubcoreMesh(core_axis_name="c", subcore_axis_name="s")

    @functools.partial(
        pl.kernel,
        mesh=mesh,
        out_type=jax.ShapeDtypeStruct((n_win, emb_d, KERNEL), jnp.float32),
        scratch_types=(
            pltpu.VMEM((per_w_tok,), jnp.int32),
            pltpu.VMEM((emb_d, vocab), jnp.float32),
            pltpu.VMEM((2, emb_d, KERNEL), jnp.float32),
            pltpu.SemaphoreType.DMA,
            pltpu.SemaphoreType.DMA,
        ),
        compiler_params=pltpu.CompilerParams(
            use_tc_tiling_on_sc=False, needs_layout_passes=False),
    )
    def gather_k(idx_hbm, table_hbm, out_hbm, idx_v, table_v, obuf, s0, s1):
        wid = lax.axis_index("s") * 2 + lax.axis_index("c")
        pltpu.sync_copy(idx_hbm.at[wid], idx_v)
        pltpu.sync_copy(table_hbm, table_v)
        row0 = wid * per_w_win
        sems = (s0, s1)

        def process(w, buf):
            base = w * KERNEL

            @plsc.parallel_loop(0, grp, 1, unroll=4)
            def _(g):
                off = g * LANES
                tok = idx_v[pl.ds(base + off, LANES)]
                for d in range(emb_d):
                    v = plsc.load_gather(table_v.at[d], [tok])
                    obuf[buf, d, pl.ds(off, LANES)] = v

        for b in range(2):
            process(b, b)
            pltpu.async_copy(obuf.at[b], out_hbm.at[row0 + b], sems[b])

        def body(i, carry):
            w0 = i * 2
            for b in range(2):
                pltpu.make_async_copy(
                    obuf.at[b], out_hbm.at[row0], sems[b]).wait()
                process(w0 + b, b)
                pltpu.async_copy(
                    obuf.at[b], out_hbm.at[row0 + w0 + b], sems[b])
            return carry

        lax.fori_loop(1, per_w_win // 2, body, 0)
        for b in range(2):
            pltpu.make_async_copy(obuf.at[b], out_hbm.at[row0], sems[b]).wait()

    return gather_k


def _tc_body(e_ref, wf_ref, bias_ref, pad_ref, out_ref, wv_s, lens_s):
    n_b = pl.num_programs(0)
    bidx = pl.program_id(0)
    t = e_ref.shape[0]
    c = wf_ref.shape[1]
    y = jnp.dot(e_ref[...], wf_ref[...], preferred_element_type=jnp.float32)
    y = jnp.maximum(y + bias_ref[...], 0.0)
    wv = jnp.max(y, axis=0, keepdims=True)
    iota_t = lax.broadcasted_iota(jnp.int32, (t, c), 0)
    tw = jnp.min(jnp.where(y == wv, iota_t, t), axis=0, keepdims=True)
    occ = jnp.any(iota_t == tw, axis=1, keepdims=True)
    n_unique = jnp.sum(occ.astype(jnp.float32))
    has_zero = jnp.max(jnp.where(tw == 0, 1.0, 0.0))
    lens = 2.0 * n_unique - has_zero
    wv_s[pl.ds(bidx, 1), :] = wv
    lens_s[pl.ds(bidx, 1), :] = jnp.full((1, c), lens, jnp.float32)

    @pl.when(bidx == n_b - 1)
    def _():
        pad_y = jnp.dot(pad_ref[...], wf_ref[...],
                        preferred_element_type=jnp.float32)
        pad_act = jnp.maximum(pad_y + bias_ref[...], 0.0)
        lens_all = lens_s[...]
        maxlen = jnp.maximum(jnp.max(lens_all), 1.0)
        has_pad = lens_all < maxlen
        out_ref[...] = jnp.maximum(wv_s[...],
                                   jnp.where(has_pad, pad_act, -1.0))


def kernel(x, emb, w, b):
    batch, seq_len = x.shape
    out_ch, emb_d, k = w.shape
    vocab = emb.shape[0]
    assert k == KERNEL and seq_len % KERNEL == 0
    t = seq_len // KERNEL
    kd = KERNEL * emb_d
    n_tok = batch * seq_len

    xw = x.reshape(NUM_WORKERS, n_tok // NUM_WORKERS)
    e_rows = _make_sc_gather(n_tok, vocab, emb_d)(xw, emb.T)
    e2 = e_rows.reshape(batch * t, kd)

    wf = w.transpose(1, 2, 0).reshape(kd, out_ch)
    bias = b.reshape(1, out_ch)
    pad_row = jnp.repeat(emb[0:1, :], KERNEL, axis=1)

    return pl.pallas_call(
        _tc_body,
        grid=(batch,),
        in_specs=[
            pl.BlockSpec((t, kd), lambda i: (i, 0)),
            pl.BlockSpec((kd, out_ch), lambda i: (0, 0)),
            pl.BlockSpec((1, out_ch), lambda i: (0, 0)),
            pl.BlockSpec((1, kd), lambda i: (0, 0)),
        ],
        out_specs=pl.BlockSpec((batch, out_ch), lambda i: (0, 0)),
        out_shape=jax.ShapeDtypeStruct((batch, out_ch), jnp.float32),
        scratch_shapes=[
            pltpu.VMEM((batch, out_ch), jnp.float32),
            pltpu.VMEM((batch, out_ch), jnp.float32),
        ],
        compiler_params=pltpu.CompilerParams(
            dimension_semantics=("arbitrary",)),
    )(e2, wf, bias, pad_row)

# --- scband reference (transcript-rebuilt; emitter-appended) ---
"""Pipeline reference for scband-low-mem-conv-base-86998857547887 (READ-ONLY COPY).

The authoritative reference and input builder live on the scoring server;
editing this copy changes nothing except your own understanding.
"""

import jax, jax.numpy as jnp
import numpy as np

CHUNK_SIZE = 65536
OVERLAP = 512
MIN_CHUNK = 1024
VOCAB = 257
EMB_D = 8
OUT_CH = 128
KERNEL = 512
STRIDE = 512
RF = KERNEL  # receptive field of the concrete processRange subnetwork


def process_range(x, emb, w, b):
    # x: int32 (B, L) -> float32 (B, C, L_out). Embedding + Conv1d(stride=STRIDE) + ReLU.
    e = jnp.take(emb, x, axis=0)            # (B, L, d)
    e = jnp.transpose(e, (0, 2, 1))         # (B, d, L)
    y = jax.lax.conv_general_dilated(
        e, w, window_strides=(STRIDE,), padding='VALID',
        dimension_numbers=('NCH', 'OIH', 'NCH'))
    y = y + b[None, :, None]
    return jax.nn.relu(y)


def setup_inputs(seed: int = 0):
    key = jax.random.key(seed)
    k1, k2, k3 = jax.random.split(key, 3)
    x = jax.random.randint(k1, (8, 131072), 0, 256, dtype=jnp.int32)
    emb = jax.random.normal(k2, (VOCAB, EMB_D), dtype=jnp.float32) * 0.1
    w = jax.random.normal(k3, (OUT_CH, EMB_D, KERNEL), dtype=jnp.float32) * 0.02
    b = jnp.zeros((OUT_CH,), dtype=jnp.float32)
    return {"x": x, "emb": emb, "w": w, "b": b}


def _select_chunks(x, emb, w, b):
    # no-grad chunked scan: find per-channel winning positions, then gather
    # receptive-field windows around the winners (seq2fix selection phase).
    B, L = x.shape
    winner_values = jnp.full((B, OUT_CH), -1.0, dtype=jnp.float32)
    winner_indices = jnp.zeros((B, OUT_CH), dtype=jnp.int32)
    start = 0
    end = start + CHUNK_SIZE
    while start < end and end - start >= max(MIN_CHUNK, RF):
        activs = process_range(x[:, start:end], emb, w, b)   # (B, C, L_out)
        activ_win = jnp.max(activs, axis=2)                  # max_pool1d values
        activ_indx = jnp.argmax(activs, axis=2).astype(jnp.int32)  # indices
        sel = winner_values < activ_win
        winner_indices = jnp.where(sel, activ_indx * STRIDE + start, winner_indices)
        winner_values = jnp.where(sel, activ_win, winner_values)
        start = end
        end = min(start + CHUNK_SIZE, L)
    # Every winner index is a multiple of STRIDE (= RF = KERNEL), so each
    # receptive-field part [i-RF, i+RF) splits into stride-aligned conv
    # windows [i-RF, i) and [i, i+RF); duplicate windows never affect a max.
    starts = jnp.concatenate(
        [jnp.maximum(winner_indices - RF, 0), winner_indices], axis=1)  # (B, 2C)
    windows = jax.vmap(
        lambda xb, ss: jax.vmap(
            lambda s: jax.lax.dynamic_slice(xb, (s,), (RF,)))(ss))(x, starts)
    x_cat = jnp.concatenate(
        [windows.reshape(B, -1), jnp.zeros((B, RF), dtype=x.dtype)], axis=1)
    sw = jnp.sort(winner_indices, axis=1)
    n_unique = 1 + jnp.sum((sw[:, 1:] != sw[:, :-1]).astype(jnp.int32), axis=1)
    has_zero = jnp.any(winner_indices == 0, axis=1)
    lens = 2 * RF * n_unique - RF * has_zero.astype(jnp.int32)
    maxlen = jnp.maximum(jnp.max(lens), RF)
    has_pad = lens < maxlen
    return x_cat, has_pad


def reference(x, emb, w, b):
    B, L = x.shape
    if L < RF:
        x = jnp.pad(x, ((0, 0), (0, RF - L)))
    x_sel, has_pad = _select_chunks(x, emb, w, b)
    activs = process_range(x_sel, emb, w, b)       # (B, C, 2C + 1)
    pooled_main = jnp.max(activs[:, :, :-1], axis=2)
    pad_act = activs[:, :, -1]                     # activation of an all-pad window
    pooled = jnp.maximum(pooled_main, jnp.where(has_pad[:, None], pad_act, -1.0))
    return pooled.reshape(pooled.shape[0], -1)     # (B, C)

if __name__ == "__main__":
    import jax
    _d = setup_inputs()
    print(jax.jit(kernel)(*tuple(_d.values())))

</pallas_src>

<mosaic_0001>
#map = affine_map<(d0, d1) -> (0, 0)>
#map1 = affine_map<(d0, d1) -> (0, 0, 0)>
module attributes {stable_mosaic.version = 14 : i64} {
  func.func @gather_k(%arg0: i32, %arg1: i32, %arg2: memref<32x32768xi32, #tpu.memory_space<hbm>>, %arg3: memref<8x257xf32, #tpu.memory_space<hbm>>, %arg4: memref<2048x8x512xf32, #tpu.memory_space<hbm>>, %arg5: memref<32768xi32, #tpu.memory_space<vmem>>, %arg6: memref<8x257xf32, #tpu.memory_space<vmem>>, %arg7: memref<2x8x512xf32, #tpu.memory_space<vmem>>, %arg8: memref<!tpu.dma_semaphore, #tpu.memory_space<semaphore_mem>>, %arg9: memref<!tpu.dma_semaphore, #tpu.memory_space<semaphore_mem>>) attributes {dimension_semantics = [#tpu.dimension_semantics<core_parallel>, #tpu.dimension_semantics<subcore_parallel>], iteration_bounds = array<i64: 2, 16>, scalar_prefetch = 0 : i64, scratch_operands = 5 : i64, tpu.core_type = #tpu.core_type<sc_vector_subcore>, window_params = [{transform_indices = #map}, {transform_indices = #map}, {transform_indices = #map1}]} {
    %mul3A = arith.constant 2 : i32
    %mul3A_0 = arith.muli %arg1, %mul3A : i32
    %add3A = arith.addi %mul3A_0, %arg0 : i32
    "tpu.region"() ({
      %run_scoped3A = tpu.sem_alloc : memref<!tpu.dma_semaphore, #tpu.memory_space<semaphore_mem>>
      %dma_start3A_83 = arith.constant 0 : i32
      %dma_start3A_84 = tpu.memref_slice %arg2[%add3A, %dma_start3A_83] : memref<32x32768xi32, #tpu.memory_space<hbm>> -> memref<1x32768xi32, #tpu.memory_space<hbm>>
      %dma_start3A_85 = tpu.memref_squeeze %dma_start3A_84 : memref<1x32768xi32, #tpu.memory_space<hbm>> -> memref<32768xi32, #tpu.memory_space<hbm>>
      %dma_start3A_86 = arith.constant 0 : i32
      %dma_start3A_87 = tpu.memref_slice %arg2[%add3A, %dma_start3A_86] : memref<32x32768xi32, #tpu.memory_space<hbm>> -> memref<1x32768xi32, #tpu.memory_space<hbm>>
      %dma_start3A_88 = tpu.memref_squeeze %dma_start3A_87 : memref<1x32768xi32, #tpu.memory_space<hbm>> -> memref<32768xi32, #tpu.memory_space<hbm>>
      tpu.enqueue_dma source(%dma_start3A_88 : memref<32768xi32, #tpu.memory_space<hbm>>) target(%arg5 : memref<32768xi32, #tpu.memory_space<vmem>>) target_semaphore(%run_scoped3A : memref<!tpu.dma_semaphore, #tpu.memory_space<semaphore_mem>>)
      %dma_wait3A_89 = arith.constant 0 : i32
      %dma_wait3A_90 = tpu.memref_slice %arg2[%add3A, %dma_wait3A_89] : memref<32x32768xi32, #tpu.memory_space<hbm>> -> memref<1x32768xi32, #tpu.memory_space<hbm>>
      %dma_wait3A_91 = tpu.memref_squeeze %dma_wait3A_90 : memref<1x32768xi32, #tpu.memory_space<hbm>> -> memref<32768xi32, #tpu.memory_space<hbm>>
      %dma_wait3A_92 = arith.constant 0 : i32
      %dma_wait3A_93 = tpu.memref_slice %arg2[%add3A, %dma_wait3A_92] : memref<32x32768xi32, #tpu.memory_space<hbm>> -> memref<1x32768xi32, #tpu.memory_space<hbm>>
      %dma_wait3A_94 = tpu.memref_squeeze %dma_wait3A_93 : memref<1x32768xi32, #tpu.memory_space<hbm>> -> memref<32768xi32, #tpu.memory_space<hbm>>
      tpu.wait_dma2 semaphore(%run_scoped3A : memref<!tpu.dma_semaphore, #tpu.memory_space<semaphore_mem>>) src(%dma_wait3A_94 : memref<32768xi32, #tpu.memory_space<hbm>>) dst(%arg5 : memref<32768xi32, #tpu.memory_space<vmem>>)
      tpu.yield
    }) : () -> ()
    "tpu.region"() ({
      %run_scoped3A = tpu.sem_alloc : memref<!tpu.dma_semaphore, #tpu.memory_space<semaphore_mem>>
      tpu.enqueue_dma source(%arg3 : memref<8x257xf32, #tpu.memory_space<hbm>>) target(%arg6 : memref<8x257xf32, #tpu.memory_space<vmem>>) target_semaphore(%run_scoped3A : memref<!tpu.dma_semaphore, #tpu.memory_space<semaphore_mem>>)
      tpu.wait_dma2 semaphore(%run_scoped3A : memref<!tpu.dma_semaphore, #tpu.memory_space<semaphore_mem>>) src(%arg3 : memref<8x257xf32, #tpu.memory_space<hbm>>) dst(%arg6 : memref<8x257xf32, #tpu.memory_space<vmem>>)
      tpu.yield
    }) : () -> ()
    %mul3A_1 = arith.constant 64 : i32
    %mul3A_2 = arith.muli %add3A, %mul3A_1 : i32
    %parallel_loop3A = arith.constant 0 : i32
    %parallel_loop3A_3 = arith.constant 32 : i32
    %parallel_loop3A_4 = arith.constant 1 : i32
    scf.for %parallel_loop3A_83 = %parallel_loop3A to %parallel_loop3A_3 step %parallel_loop3A_4  : i32 {
      %parallel_loop3A_84 = arith.constant 16 : i32
      %parallel_loop3A_85 = arith.muli %parallel_loop3A_83, %parallel_loop3A_84 : i32
      %parallel_loop3A_86 = arith.constant 0 : i32
      %parallel_loop3A_87 = arith.addi %parallel_loop3A_86, %parallel_loop3A_85 : i32
      %parallel_loop3A_88 = arith.index_cast %parallel_loop3A_87 : i32 to index
      %parallel_loop3A_89 = tpu.vector_load %arg5[%parallel_loop3A_88] {strides = array<i32>} : memref<32768xi32, #tpu.memory_space<vmem>>, vector<16xi32>,
      %parallel_loop3A_90 = arith.constant 0 : i32
      %parallel_loop3A_91 = arith.constant 0 : i32
      %parallel_loop3A_92 = tpu.memref_slice %arg6[%parallel_loop3A_90, %parallel_loop3A_91] : memref<8x257xf32, #tpu.memory_space<vmem>> -> memref<1x257xf32, #tpu.memory_space<vmem>>
      %parallel_loop3A_93 = tpu.memref_squeeze %parallel_loop3A_92 : memref<1x257xf32, #tpu.memory_space<vmem>> -> memref<257xf32, #tpu.memory_space<vmem>>
      %parallel_loop3A_94 = tpu.vector_load_idx %parallel_loop3A_93[%parallel_loop3A_89] : memref<257xf32, #tpu.memory_space<vmem>>[vector<16xi32>], vector<16xf32>,
      %parallel_loop3A_95 = arith.constant 0 : i32
      %parallel_loop3A_96 = arith.constant 0 : i32
      %parallel_loop3A_97 = arith.index_cast %parallel_loop3A_95 : i32 to index
      %parallel_loop3A_98 = arith.index_cast %parallel_loop3A_96 : i32 to index
      %parallel_loop3A_99 = arith.index_cast %parallel_loop3A_85 : i32 to index
      %parallel_loop3A_100 = tpu.vector_load %arg7[%parallel_loop3A_97, %parallel_loop3A_98, %parallel_loop3A_99] {strides = array<i32>} : memref<2x8x512xf32, #tpu.memory_space<vmem>>, vector<16xf32>,
      tpu.vector_store %arg7[%parallel_loop3A_97, %parallel_loop3A_98, %parallel_loop3A_99], %parallel_loop3A_94 {strides = array<i32>} : memref<2x8x512xf32, #tpu.memory_space<vmem>>, vector<16xf32>,
      %parallel_loop3A_101 = arith.constant 1 : i32
      %parallel_loop3A_102 = arith.constant 0 : i32
      %parallel_loop3A_103 = tpu.memref_slice %arg6[%parallel_loop3A_101, %parallel_loop3A_102] : memref<8x257xf32, #tpu.memory_space<vmem>> -> memref<1x257xf32, #tpu.memory_space<vmem>>
      %parallel_loop3A_104 = tpu.memref_squeeze %parallel_loop3A_103 : memref<1x257xf32, #tpu.memory_space<vmem>> -> memref<257xf32, #tpu.memory_space<vmem>>
      %parallel_loop3A_105 = tpu.vector_load_idx %parallel_loop3A_104[%parallel_loop3A_89] : memref<257xf32, #tpu.memory_space<vmem>>[vector<16xi32>], vector<16xf32>,
      %parallel_loop3A_106 = arith.constant 0 : i32
      %parallel_loop3A_107 = arith.constant 1 : i32
      %parallel_loop3A_108 = arith.index_cast %parallel_loop3A_106 : i32 to index
      %parallel_loop3A_109 = arith.index_cast %parallel_loop3A_107 : i32 to index
      %parallel_loop3A_110 = arith.index_cast %parallel_loop3A_85 : i32 to index
      %parallel_loop3A_111 = tpu.vector_load %arg7[%parallel_loop3A_108, %parallel_loop3A_109, %parallel_loop3A_110] {strides = array<i32>} : memref<2x8x512xf32, #tpu.memory_space<vmem>>, vector<16xf32>,
      tpu.vector_store %arg7[%parallel_loop3A_108, %parallel_loop3A_109, %parallel_loop3A_110], %parallel_loop3A_105 {strides = array<i32>} : memref<2x8x512xf32, #tpu.memory_space<vmem>>, vector<16xf32>,
      %parallel_loop3A_112 = arith.constant 2 : i32
      %parallel_loop3A_113 = arith.constant 0 : i32
      %parallel_loop3A_114 = tpu.memref_slice %arg6[%parallel_loop3A_112, %parallel_loop3A_113] : memref<8x257xf32, #tpu.memory_space<vmem>> -> memref<1x257xf32, #tpu.memory_space<vmem>>
      %parallel_loop3A_115 = tpu.memref_squeeze %parallel_loop3A_114 : memref<1x257xf32, #tpu.memory_space<vmem>> -> memref<257xf32, #tpu.memory_space<vmem>>
      %parallel_loop3A_116 = tpu.vector_load_idx %parallel_loop3A_115[%parallel_loop3A_89] : memref<257xf32, #tpu.memory_space<vmem>>[vector<16xi32>], vector<16xf32>,
      %parallel_loop3A_117 = arith.constant 0 : i32
      %parallel_loop3A_118 = arith.constant 2 : i32
      %parallel_loop3A_119 = arith.index_cast %parallel_loop3A_117 : i32 to index
      %parallel_loop3A_120 = arith.index_cast %parallel_loop3A_118 : i32 to index
      %parallel_loop3A_121 = arith.index_cast %parallel_loop3A_85 : i32 to index
      %parallel_loop3A_122 = tpu.vector_load %arg7[%parallel_loop3A_119, %parallel_loop3A_120, %parallel_loop3A_121] {strides = array<i32>} : memref<2x8x512xf32, #tpu.memory_space<vmem>>, vector<16xf32>,
      tpu.vector_store %arg7[%parallel_loop3A_119, %parallel_loop3A_120, %parallel_loop3A_121], %parallel_loop3A_116 {strides = array<i32>} : memref<2x8x512xf32, #tpu.memory_space<vmem>>, vector<16xf32>,
      %parallel_loop3A_123 = arith.constant 3 : i32
      %parallel_loop3A_124 = arith.constant 0 : i32
      %parallel_loop3A_125 = tpu.memref_slice %arg6[%parallel_loop3A_123, %parallel_loop3A_124] : memref<8x257xf32, #tpu.memory_space<vmem>> -> memref<1x257xf32, #tpu.memory_space<vmem>>
      %parallel_loop3A_126 = tpu.memref_squeeze %parallel_loop3A_125 : memref<1x257xf32, #tpu.memory_space<vmem>> -> memref<257xf32, #tpu.memory_space<vmem>>
      %parallel_loop3A_127 = tpu.vector_load_idx %parallel_loop3A_126[%parallel_loop3A_89] : memref<257xf32, #tpu.memory_space<vmem>>[vector<16xi32>], vector<16xf32>,
      %parallel_loop3A_128 = arith.constant 0 : i32
      %parallel_loop3A_129 = arith.constant 3 : i32
      %parallel_loop3A_130 = arith.index_cast %parallel_loop3A_128 : i32 to index
      %parallel_loop3A_131 = arith.index_cast %parallel_loop3A_129 : i32 to index
      %parallel_loop3A_132 = arith.index_cast %parallel_loop3A_85 : i32 to index
      %parallel_loop3A_133 = tpu.vector_load %arg7[%parallel_loop3A_130, %parallel_loop3A_131, %parallel_loop3A_132] {strides = array<i32>} : memref<2x8x512xf32, #tpu.memory_space<vmem>>, vector<16xf32>,
      tpu.vector_store %arg7[%parallel_loop3A_130, %parallel_loop3A_131, %parallel_loop3A_132], %parallel_loop3A_127 {strides = array<i32>} : memref<2x8x512xf32, #tpu.memory_space<vmem>>, vector<16xf32>,
      %parallel_loop3A_134 = arith.constant 4 : i32
      %parallel_loop3A_135 = arith.constant 0 : i32
      %parallel_loop3A_136 = tpu.memref_slice %arg6[%parallel_loop3A_134, %parallel_loop3A_135] : memref<8x257xf32, #tpu.memory_space<vmem>> -> memref<1x257xf32, #tpu.memory_space<vmem>>
      %parallel_loop3A_137 = tpu.memref_squeeze %parallel_loop3A_136 : memref<1x257xf32, #tpu.memory_space<vmem>> -> memref<257xf32, #tpu.memory_space<vmem>>
      %parallel_loop3A_138 = tpu.vector_load_idx %parallel_loop3A_137[%parallel_loop3A_89] : memref<257xf32, #tpu.memory_space<vmem>>[vector<16xi32>], vector<16xf32>,
      %parallel_loop3A_139 = arith.constant 0 : i32
      %parallel_loop3A_140 = arith.constant 4 : i32
      %parallel_loop3A_141 = arith.index_cast %parallel_loop3A_139 : i32 to index
      %parallel_loop3A_142 = arith.index_cast %parallel_loop3A_140 : i32 to index
      %parallel_loop3A_143 = arith.index_cast %parallel_loop3A_85 : i32 to index
      %parallel_loop3A_144 = tpu.vector_load %arg7[%parallel_loop3A_141, %parallel_loop3A_142, %parallel_loop3A_143] {strides = array<i32>} : memref<2x8x512xf32, #tpu.memory_space<vmem>>, vector<16xf32>,
      tpu.vector_store %arg7[%parallel_loop3A_141, %parallel_loop3A_142, %parallel_loop3A_143], %parallel_loop3A_138 {strides = array<i32>} : memref<2x8x512xf32, #tpu.memory_space<vmem>>, vector<16xf32>,
      %parallel_loop3A_145 = arith.constant 5 : i32
      %parallel_loop3A_146 = arith.constant 0 : i32
      %parallel_loop3A_147 = tpu.memref_slice %arg6[%parallel_loop3A_145, %parallel_loop3A_146] : memref<8x257xf32, #tpu.memory_space<vmem>> -> memref<1x257xf32, #tpu.memory_space<vmem>>
      %parallel_loop3A_148 = tpu.memref_squeeze %parallel_loop3A_147 : memref<1x257xf32, #tpu.memory_space<vmem>> -> memref<257xf32, #tpu.memory_space<vmem>>
      %parallel_loop3A_149 = tpu.vector_load_idx %parallel_loop3A_148[%parallel_loop3A_89] : memref<257xf32, #tpu.memory_space<vmem>>[vector<16xi32>], vector<16xf32>,
      %parallel_loop3A_150 = arith.constant 0 : i32
      %parallel_loop3A_151 = arith.constant 5 : i32
      %parallel_loop3A_152 = arith.index_cast %parallel_loop3A_150 : i32 to index
      %parallel_loop3A_153 = arith.index_cast %parallel_loop3A_151 : i32 to index
      %parallel_loop3A_154 = arith.index_cast %parallel_loop3A_85 : i32 to index
      %parallel_loop3A_155 = tpu.vector_load %arg7[%parallel_loop3A_152, %parallel_loop3A_153, %parallel_loop3A_154] {strides = array<i32>} : memref<2x8x512xf32, #tpu.memory_space<vmem>>, vector<16xf32>,
      tpu.vector_store %arg7[%parallel_loop3A_152, %parallel_loop3A_153, %parallel_loop3A_154], %parallel_loop3A_149 {strides = array<i32>} : memref<2x8x512xf32, #tpu.memory_space<vmem>>, vector<16xf32>,
      %parallel_loop3A_156 = arith.constant 6 : i32
      %parallel_loop3A_157 = arith.constant 0 : i32
      %parallel_loop3A_158 = tpu.memref_slice %arg6[%parallel_loop3A_156, %parallel_loop3A_157] : memref<8x257xf32, #tpu.memory_space<vmem>> -> memref<1x257xf32, #tpu.memory_space<vmem>>
      %parallel_loop3A_159 = tpu.memref_squeeze %parallel_loop3A_158 : memref<1x257xf32, #tpu.memory_space<vmem>> -> memref<257xf32, #tpu.memory_space<vmem>>
      %parallel_loop3A_160 = tpu.vector_load_idx %parallel_loop3A_159[%parallel_loop3A_89] : memref<257xf32, #tpu.memory_space<vmem>>[vector<16xi32>], vector<16xf32>,
      %parallel_loop3A_161 = arith.constant 0 : i32
      %parallel_loop3A_162 = arith.constant 6 : i32
      %parallel_loop3A_163 = arith.index_cast %parallel_loop3A_161 : i32 to index
      %parallel_loop3A_164 = arith.index_cast %parallel_loop3A_162 : i32 to index
      %parallel_loop3A_165 = arith.index_cast %parallel_loop3A_85 : i32 to index
      %parallel_loop3A_166 = tpu.vector_load %arg7[%parallel_loop3A_163, %parallel_loop3A_164, %parallel_loop3A_165] {strides = array<i32>} : memref<2x8x512xf32, #tpu.memory_space<vmem>>, vector<16xf32>,
      tpu.vector_store %arg7[%parallel_loop3A_163, %parallel_loop3A_164, %parallel_loop3A_165], %parallel_loop3A_160 {strides = array<i32>} : memref<2x8x512xf32, #tpu.memory_space<vmem>>, vector<16xf32>,
      %parallel_loop3A_167 = arith.constant 7 : i32
      %parallel_loop3A_168 = arith.constant 0 : i32
      %parallel_loop3A_169 = tpu.memref_slice %arg6[%parallel_loop3A_167, %parallel_loop3A_168] : memref<8x257xf32, #tpu.memory_space<vmem>> -> memref<1x257xf32, #tpu.memory_space<vmem>>
      %parallel_loop3A_170 = tpu.memref_squeeze %parallel_loop3A_169 : memref<1x257xf32, #tpu.memory_space<vmem>> -> memref<257xf32, #tpu.memory_space<vmem>>
      %parallel_loop3A_171 = tpu.vector_load_idx %parallel_loop3A_170[%parallel_loop3A_89] : memref<257xf32, #tpu.memory_space<vmem>>[vector<16xi32>], vector<16xf32>,
      %parallel_loop3A_172 = arith.constant 0 : i32
      %parallel_loop3A_173 = arith.constant 7 : i32
      %parallel_loop3A_174 = arith.index_cast %parallel_loop3A_172 : i32 to index
      %parallel_loop3A_175 = arith.index_cast %parallel_loop3A_173 : i32 to index
      %parallel_loop3A_176 = arith.index_cast %parallel_loop3A_85 : i32 to index
      %parallel_loop3A_177 = tpu.vector_load %arg7[%parallel_loop3A_174, %parallel_loop3A_175, %parallel_loop3A_176] {strides = array<i32>} : memref<2x8x512xf32, #tpu.memory_space<vmem>>, vector<16xf32>,
      tpu.vector_store %arg7[%parallel_loop3A_174, %parallel_loop3A_175, %parallel_loop3A_176], %parallel_loop3A_171 {strides = array<i32>} : memref<2x8x512xf32, #tpu.memory_space<vmem>>, vector<16xf32>,
    } {sc.loop_unroll_factor = 4 : i64, sc.parallel_access}
    %add3A_5 = arith.constant 0 : i32
    %add3A_6 = arith.addi %mul3A_2, %add3A_5 : i32
    %dma_start3A = arith.constant 0 : i32
    %dma_start3A_7 = arith.constant 0 : i32
    %dma_start3A_8 = arith.constant 0 : i32
    %dma_start3A_9 = tpu.memref_slice %arg7[%dma_start3A, %dma_start3A_7, %dma_start3A_8] : memref<2x8x512xf32, #tpu.memory_space<vmem>> -> memref<1x8x512xf32, #tpu.memory_space<vmem>>
    %dma_start3A_10 = tpu.memref_squeeze %dma_start3A_9 : memref<1x8x512xf32, #tpu.memory_space<vmem>> -> memref<8x512xf32, #tpu.memory_space<vmem>>
    %dma_start3A_11 = arith.constant 0 : i32
    %dma_start3A_12 = arith.constant 0 : i32
    %dma_start3A_13 = tpu.memref_slice %arg4[%add3A_6, %dma_start3A_11, %dma_start3A_12] : memref<2048x8x512xf32, #tpu.memory_space<hbm>> -> memref<1x8x512xf32, #tpu.memory_space<hbm>>
    %dma_start3A_14 = tpu.memref_squeeze %dma_start3A_13 : memref<1x8x512xf32, #tpu.memory_space<hbm>> -> memref<8x512xf32, #tpu.memory_space<hbm>>
    %dma_start3A_15 = arith.constant 0 : i32
    %dma_start3A_16 = arith.constant 0 : i32
    %dma_start3A_17 = tpu.memref_slice %arg4[%add3A_6, %dma_start3A_15, %dma_start3A_16] : memref<2048x8x512xf32, #tpu.memory_space<hbm>> -> memref<1x8x512xf32, #tpu.memory_space<hbm>>
    %dma_start3A_18 = tpu.memref_squeeze %dma_start3A_17 : memref<1x8x512xf32, #tpu.memory_space<hbm>> -> memref<8x512xf32, #tpu.memory_space<hbm>>
    %dma_start3A_19 = arith.constant 0 : i32
    %dma_start3A_20 = arith.constant 0 : i32
    %dma_start3A_21 = tpu.memref_slice %arg7[%dma_start3A, %dma_start3A_19, %dma_start3A_20] : memref<2x8x512xf32, #tpu.memory_space<vmem>> -> memref<1x8x512xf32, #tpu.memory_space<vmem>>
    %dma_start3A_22 = tpu.memref_squeeze %dma_start3A_21 : memref<1x8x512xf32, #tpu.memory_space<vmem>> -> memref<8x512xf32, #tpu.memory_space<vmem>>
    tpu.enqueue_dma source(%dma_start3A_22 : memref<8x512xf32, #tpu.memory_space<vmem>>) target(%dma_start3A_18 : memref<8x512xf32, #tpu.memory_space<hbm>>) target_semaphore(%arg8 : memref<!tpu.dma_semaphore, #tpu.memory_space<semaphore_mem>>)
    %parallel_loop3A_23 = arith.constant 0 : i32
    %parallel_loop3A_24 = arith.constant 32 : i32
    %parallel_loop3A_25 = arith.constant 1 : i32
    scf.for %parallel_loop3A_83 = %parallel_loop3A_23 to %parallel_loop3A_24 step %parallel_loop3A_25  : i32 {
      %parallel_loop3A_84 = arith.constant 16 : i32
      %parallel_loop3A_85 = arith.muli %parallel_loop3A_83, %parallel_loop3A_84 : i32
      %parallel_loop3A_86 = arith.constant 512 : i32
      %parallel_loop3A_87 = arith.addi %parallel_loop3A_86, %parallel_loop3A_85 : i32
      %parallel_loop3A_88 = arith.index_cast %parallel_loop3A_87 : i32 to index
      %parallel_loop3A_89 = tpu.vector_load %arg5[%parallel_loop3A_88] {strides = array<i32>} : memref<32768xi32, #tpu.memory_space<vmem>>, vector<16xi32>,
      %parallel_loop3A_90 = arith.constant 0 : i32
      %parallel_loop3A_91 = arith.constant 0 : i32
      %parallel_loop3A_92 = tpu.memref_slice %arg6[%parallel_loop3A_90, %parallel_loop3A_91] : memref<8x257xf32, #tpu.memory_space<vmem>> -> memref<1x257xf32, #tpu.memory_space<vmem>>
      %parallel_loop3A_93 = tpu.memref_squeeze %parallel_loop3A_92 : memref<1x257xf32, #tpu.memory_space<vmem>> -> memref<257xf32, #tpu.memory_space<vmem>>
      %parallel_loop3A_94 = tpu.vector_load_idx %parallel_loop3A_93[%parallel_loop3A_89] : memref<257xf32, #tpu.memory_space<vmem>>[vector<16xi32>], vector<16xf32>,
      %parallel_loop3A_95 = arith.constant 1 : i32
      %parallel_loop3A_96 = arith.constant 0 : i32
      %parallel_loop3A_97 = arith.index_cast %parallel_loop3A_95 : i32 to index
      %parallel_loop3A_98 = arith.index_cast %parallel_loop3A_96 : i32 to index
      %parallel_loop3A_99 = arith.index_cast %parallel_loop3A_85 : i32 to index
      %parallel_loop3A_100 = tpu.vector_load %arg7[%parallel_loop3A_97, %parallel_loop3A_98, %parallel_loop3A_99] {strides = array<i32>} : memref<2x8x512xf32, #tpu.memory_space<vmem>>, vector<16xf32>,
      tpu.vector_store %arg7[%parallel_loop3A_97, %parallel_loop3A_98, %parallel_loop3A_99], %parallel_loop3A_94 {strides = array<i32>} : memref<2x8x512xf32, #tpu.memory_space<vmem>>, vector<16xf32>,
      %parallel_loop3A_101 = arith.constant 1 : i32
      %parallel_loop3A_102 = arith.constant 0 : i32
      %parallel_loop3A_103 = tpu.memref_slice %arg6[%parallel_loop3A_101, %parallel_loop3A_102] : memref<8x257xf32, #tpu.memory_space<vmem>> -> memref<1x257xf32, #tpu.memory_space<vmem>>
      %parallel_loop3A_104 = tpu.memref_squeeze %parallel_loop3A_103 : memref<1x257xf32, #tpu.memory_space<vmem>> -> memref<257xf32, #tpu.memory_space<vmem>>
      %parallel_loop3A_105 = tpu.vector_load_idx %parallel_loop3A_104[%parallel_loop3A_89] : memref<257xf32, #tpu.memory_space<vmem>>[vector<16xi32>], vector<16xf32>,
      %parallel_loop3A_106 = arith.constant 1 : i32
      %parallel_loop3A_107 = arith.constant 1 : i32
      %parallel_loop3A_108 = arith.index_cast %parallel_loop3A_106 : i32 to index
      %parallel_loop3A_109 = arith.index_cast %parallel_loop3A_107 : i32 to index
      %parallel_loop3A_110 = arith.index_cast %parallel_loop3A_85 : i32 to index
      %parallel_loop3A_111 = tpu.vector_load %arg7[%parallel_loop3A_108, %parallel_loop3A_109, %parallel_loop3A_110] {strides = array<i32>} : memref<2x8x512xf32, #tpu.memory_space<vmem>>, vector<16xf32>,
      tpu.vector_store %arg7[%parallel_loop3A_108, %parallel_loop3A_109, %parallel_loop3A_110], %parallel_loop3A_105 {strides = array<i32>} : memref<2x8x512xf32, #tpu.memory_space<vmem>>, vector<16xf32>,
      %parallel_loop3A_112 = arith.constant 2 : i32
      %parallel_loop3A_113 = arith.constant 0 : i32
      %parallel_loop3A_114 = tpu.memref_slice %arg6[%parallel_loop3A_112, %parallel_loop3A_113] : memref<8x257xf32, #tpu.memory_space<vmem>> -> memref<1x257xf32, #tpu.memory_space<vmem>>
      %parallel_loop3A_115 = tpu.memref_squeeze %parallel_loop3A_114 : memref<1x257xf32, #tpu.memory_space<vmem>> -> memref<257xf32, #tpu.memory_space<vmem>>
      %parallel_loop3A_116 = tpu.vector_load_idx %parallel_loop3A_115[%parallel_loop3A_89] : memref<257xf32, #tpu.memory_space<vmem>>[vector<16xi32>], vector<16xf32>,
      %parallel_loop3A_117 = arith.constant 1 : i32
      %parallel_loop3A_118 = arith.constant 2 : i32
      %parallel_loop3A_119 = arith.index_cast %parallel_loop3A_117 : i32 to index
      %parallel_loop3A_120 = arith.index_cast %parallel_loop3A_118 : i32 to index
      %parallel_loop3A_121 = arith.index_cast %parallel_loop3A_85 : i32 to index
      %parallel_loop3A_122 = tpu.vector_load %arg7[%parallel_loop3A_119, %parallel_loop3A_120, %parallel_loop3A_121] {strides = array<i32>} : memref<2x8x512xf32, #tpu.memory_space<vmem>>, vector<16xf32>,
      tpu.vector_store %arg7[%parallel_loop3A_119, %parallel_loop3A_120, %parallel_loop3A_121], %parallel_loop3A_116 {strides = array<i32>} : memref<2x8x512xf32, #tpu.memory_space<vmem>>, vector<16xf32>,
      %parallel_loop3A_123 = arith.constant 3 : i32
      %parallel_loop3A_124 = arith.constant 0 : i32
      %parallel_loop3A_125 = tpu.memref_slice %arg6[%parallel_loop3A_123, %parallel_loop3A_124] : memref<8x257xf32, #tpu.memory_space<vmem>> -> memref<1x257xf32, #tpu.memory_space<vmem>>
      %parallel_loop3A_126 = tpu.memref_squeeze %parallel_loop3A_125 : memref<1x257xf32, #tpu.memory_space<vmem>> -> memref<257xf32, #tpu.memory_space<vmem>>
      %parallel_loop3A_127 = tpu.vector_load_idx %parallel_loop3A_126[%parallel_loop3A_89] : memref<257xf32, #tpu.memory_space<vmem>>[vector<16xi32>], vector<16xf32>,
      %parallel_loop3A_128 = arith.constant 1 : i32
      %parallel_loop3A_129 = arith.constant 3 : i32
      %parallel_loop3A_130 = arith.index_cast %parallel_loop3A_128 : i32 to index
      %parallel_loop3A_131 = arith.index_cast %parallel_loop3A_129 : i32 to index
      %parallel_loop3A_132 = arith.index_cast %parallel_loop3A_85 : i32 to index
      %parallel_loop3A_133 = tpu.vector_load %arg7[%parallel_loop3A_130, %parallel_loop3A_131, %parallel_loop3A_132] {strides = array<i32>} : memref<2x8x512xf32, #tpu.memory_space<vmem>>, vector<16xf32>,
      tpu.vector_store %arg7[%parallel_loop3A_130, %parallel_loop3A_131, %parallel_loop3A_132], %parallel_loop3A_127 {strides = array<i32>} : memref<2x8x512xf32, #tpu.memory_space<vmem>>, vector<16xf32>,
      %parallel_loop3A_134 = arith.constant 4 : i32
      %parallel_loop3A_135 = arith.constant 0 : i32
      %parallel_loop3A_136 = tpu.memref_slice %arg6[%parallel_loop3A_134, %parallel_loop3A_135] : memref<8x257xf32, #tpu.memory_space<vmem>> -> memref<1x257xf32, #tpu.memory_space<vmem>>
      %parallel_loop3A_137 = tpu.memref_squeeze %parallel_loop3A_136 : memref<1x257xf32, #tpu.memory_space<vmem>> -> memref<257xf32, #tpu.memory_space<vmem>>
      %parallel_loop3A_138 = tpu.vector_load_idx %parallel_loop3A_137[%parallel_loop3A_89] : memref<257xf32, #tpu.memory_space<vmem>>[vector<16xi32>], vector<16xf32>,
      %parallel_loop3A_139 = arith.constant 1 : i32
      %parallel_loop3A_140 = arith.constant 4 : i32
      %parallel_loop3A_141 = arith.index_cast %parallel_loop3A_139 : i32 to index
      %parallel_loop3A_142 = arith.index_cast %parallel_loop3A_140 : i32 to index
      %parallel_loop3A_143 = arith.index_cast %parallel_loop3A_85 : i32 to index
      %parallel_loop3A_144 = tpu.vector_load %arg7[%parallel_loop3A_141, %parallel_loop3A_142, %parallel_loop3A_143] {strides = array<i32>} : memref<2x8x512xf32, #tpu.memory_space<vmem>>, vector<16xf32>,
      tpu.vector_store %arg7[%parallel_loop3A_141, %parallel_loop3A_142, %parallel_loop3A_143], %parallel_loop3A_138 {strides = array<i32>} : memref<2x8x512xf32, #tpu.memory_space<vmem>>, vector<16xf32>,
      %parallel_loop3A_145 = arith.constant 5 : i32
      %parallel_loop3A_146 = arith.constant 0 : i32
      %parallel_loop3A_147 = tpu.memref_slice %arg6[%parallel_loop3A_145, %parallel_loop3A_146] : memref<8x257xf32, #tpu.memory_space<vmem>> -> memref<1x257xf32, #tpu.memory_space<vmem>>
      %parallel_loop3A_148 = tpu.memref_squeeze %parallel_loop3A_147 : memref<1x257xf32, #tpu.memory_space<vmem>> -> memref<257xf32, #tpu.memory_space<vmem>>
      %parallel_loop3A_149 = tpu.vector_load_idx %parallel_loop3A_148[%parallel_loop3A_89] : memref<257xf32, #tpu.memory_space<vmem>>[vector<16xi32>], vector<16xf32>,
      %parallel_loop3A_150 = arith.constant 1 : i32
      %parallel_loop3A_151 = arith.constant 5 : i32
      %parallel_loop3A_152 = arith.index_cast %parallel_loop3A_150 : i32 to index
      %parallel_loop3A_153 = arith.index_cast %parallel_loop3A_151 : i32 to index
      %parallel_loop3A_154 = arith.index_cast %parallel_loop3A_85 : i32 to index
      %parallel_loop3A_155 = tpu.vector_load %arg7[%parallel_loop3A_152, %parallel_loop3A_153, %parallel_loop3A_154] {strides = array<i32>} : memref<2x8x512xf32, #tpu.memory_space<vmem>>, vector<16xf32>,
      tpu.vector_store %arg7[%parallel_loop3A_152, %parallel_loop3A_153, %parallel_loop3A_154], %parallel_loop3A_149 {strides = array<i32>} : memref<2x8x512xf32, #tpu.memory_space<vmem>>, vector<16xf32>,
      %parallel_loop3A_156 = arith.constant 6 : i32
      %parallel_loop3A_157 = arith.constant 0 : i32
      %parallel_loop3A_158 = tpu.memref_slice %arg6[%parallel_loop3A_156, %parallel_loop3A_157] : memref<8x257xf32, #tpu.memory_space<vmem>> -> memref<1x257xf32, #tpu.memory_space<vmem>>
      %parallel_loop3A_159 = tpu.memref_squeeze %parallel_loop3A_158 : memref<1x257xf32, #tpu.memory_space<vmem>> -> memref<257xf32, #tpu.memory_space<vmem>>
      %parallel_loop3A_160 = tpu.vector_load_idx %parallel_loop3A_159[%parallel_loop3A_89] : memref<257xf32, #tpu.memory_space<vmem>>[vector<16xi32>], vector<16xf32>,
      %parallel_loop3A_161 = arith.constant 1 : i32
      %parallel_loop3A_162 = arith.constant 6 : i32
      %parallel_loop3A_163 = arith.index_cast %parallel_loop3A_161 : i32 to index
      %parallel_loop3A_164 = arith.index_cast %parallel_loop3A_162 : i32 to index
      %parallel_loop3A_165 = arith.index_cast %parallel_loop3A_85 : i32 to index
      %parallel_loop3A_166 = tpu.vector_load %arg7[%parallel_loop3A_163, %parallel_loop3A_164, %parallel_loop3A_165] {strides = array<i32>} : memref<2x8x512xf32, #tpu.memory_space<vmem>>, vector<16xf32>,
      tpu.vector_store %arg7[%parallel_loop3A_163, %parallel_loop3A_164, %parallel_loop3A_165], %parallel_loop3A_160 {strides = array<i32>} : memref<2x8x512xf32, #tpu.memory_space<vmem>>, vector<16xf32>,
      %parallel_loop3A_167 = arith.constant 7 : i32
      %parallel_loop3A_168 = arith.constant 0 : i32
      %parallel_loop3A_169 = tpu.memref_slice %arg6[%parallel_loop3A_167, %parallel_loop3A_168] : memref<8x257xf32, #tpu.memory_space<vmem>> -> memref<1x257xf32, #tpu.memory_space<vmem>>
      %parallel_loop3A_170 = tpu.memref_squeeze %parallel_loop3A_169 : memref<1x257xf32, #tpu.memory_space<vmem>> -> memref<257xf32, #tpu.memory_space<vmem>>
      %parallel_loop3A_171 = tpu.vector_load_idx %parallel_loop3A_170[%parallel_loop3A_89] : memref<257xf32, #tpu.memory_space<vmem>>[vector<16xi32>], vector<16xf32>,
      %parallel_loop3A_172 = arith.constant 1 : i32
      %parallel_loop3A_173 = arith.constant 7 : i32
      %parallel_loop3A_174 = arith.index_cast %parallel_loop3A_172 : i32 to index
      %parallel_loop3A_175 = arith.index_cast %parallel_loop3A_173 : i32 to index
      %parallel_loop3A_176 = arith.index_cast %parallel_loop3A_85 : i32 to index
      %parallel_loop3A_177 = tpu.vector_load %arg7[%parallel_loop3A_174, %parallel_loop3A_175, %parallel_loop3A_176] {strides = array<i32>} : memref<2x8x512xf32, #tpu.memory_space<vmem>>, vector<16xf32>,
      tpu.vector_store %arg7[%parallel_loop3A_174, %parallel_loop3A_175, %parallel_loop3A_176], %parallel_loop3A_171 {strides = array<i32>} : memref<2x8x512xf32, #tpu.memory_space<vmem>>, vector<16xf32>,
    } {sc.loop_unroll_factor = 4 : i64, sc.parallel_access}
    %add3A_26 = arith.constant 1 : i32
    %add3A_27 = arith.addi %mul3A_2, %add3A_26 : i32
    %dma_start3A_28 = arith.constant 1 : i32
    %dma_start3A_29 = arith.constant 0 : i32
    %dma_start3A_30 = arith.constant 0 : i32
    %dma_start3A_31 = tpu.memref_slice %arg7[%dma_start3A_28, %dma_start3A_29, %dma_start3A_30] : memref<2x8x512xf32, #tpu.memory_space<vmem>> -> memref<1x8x512xf32, #tpu.memory_space<vmem>>
    %dma_start3A_32 = tpu.memref_squeeze %dma_start3A_31 : memref<1x8x512xf32, #tpu.memory_space<vmem>> -> memref<8x512xf32, #tpu.memory_space<vmem>>
    %dma_start3A_33 = arith.constant 0 : i32
    %dma_start3A_34 = arith.constant 0 : i32
    %dma_start3A_35 = tpu.memref_slice %arg4[%add3A_27, %dma_start3A_33, %dma_start3A_34] : memref<2048x8x512xf32, #tpu.memory_space<hbm>> -> memref<1x8x512xf32, #tpu.memory_space<hbm>>
    %dma_start3A_36 = tpu.memref_squeeze %dma_start3A_35 : memref<1x8x512xf32, #tpu.memory_space<hbm>> -> memref<8x512xf32, #tpu.memory_space<hbm>>
    %dma_start3A_37 = arith.constant 0 : i32
    %dma_start3A_38 = arith.constant 0 : i32
    %dma_start3A_39 = tpu.memref_slice %arg4[%add3A_27, %dma_start3A_37, %dma_start3A_38] : memref<2048x8x512xf32, #tpu.memory_space<hbm>> -> memref<1x8x512xf32, #tpu.memory_space<hbm>>
    %dma_start3A_40 = tpu.memref_squeeze %dma_start3A_39 : memref<1x8x512xf32, #tpu.memory_space<hbm>> -> memref<8x512xf32, #tpu.memory_space<hbm>>
    %dma_start3A_41 = arith.constant 0 : i32
    %dma_start3A_42 = arith.constant 0 : i32
    %dma_start3A_43 = tpu.memref_slice %arg7[%dma_start3A_28, %dma_start3A_41, %dma_start3A_42] : memref<2x8x512xf32, #tpu.memory_space<vmem>> -> memref<1x8x512xf32, #tpu.memory_space<vmem>>
    %dma_start3A_44 = tpu.memref_squeeze %dma_start3A_43 : memref<1x8x512xf32, #tpu.memory_space<vmem>> -> memref<8x512xf32, #tpu.memory_space<vmem>>
    tpu.enqueue_dma source(%dma_start3A_44 : memref<8x512xf32, #tpu.memory_space<vmem>>) target(%dma_start3A_40 : memref<8x512xf32, #tpu.memory_space<hbm>>) target_semaphore(%arg9 : memref<!tpu.dma_semaphore, #tpu.memory_space<semaphore_mem>>)
    %scan3A = arith.constant 0 : i32
    %scan3A_45 = arith.constant 1 : i32
    %scan3A_46 = arith.constant 31 : i32
    %scan3A_47 = arith.addi %scan3A_45, %scan3A_46 : i32
    %scan3A_48 = arith.constant 1 : i32
    scf.for %scan3A_83 = %scan3A_45 to %scan3A_47 step %scan3A_48  : i32 {
      %mul3A_84 = arith.constant 2 : i32
      %mul3A_85 = arith.muli %scan3A_83, %mul3A_84 : i32
      %dma_wait3A_86 = arith.constant 0 : i32
      %dma_wait3A_87 = arith.constant 0 : i32
      %dma_wait3A_88 = arith.constant 0 : i32
      %dma_wait3A_89 = tpu.memref_slice %arg7[%dma_wait3A_86, %dma_wait3A_87, %dma_wait3A_88] : memref<2x8x512xf32, #tpu.memory_space<vmem>> -> memref<1x8x512xf32, #tpu.memory_space<vmem>>
      %dma_wait3A_90 = tpu.memref_squeeze %dma_wait3A_89 : memref<1x8x512xf32, #tpu.memory_space<vmem>> -> memref<8x512xf32, #tpu.memory_space<vmem>>
      %dma_wait3A_91 = arith.constant 0 : i32
      %dma_wait3A_92 = arith.constant 0 : i32
      %dma_wait3A_93 = tpu.memref_slice %arg4[%mul3A_2, %dma_wait3A_91, %dma_wait3A_92] : memref<2048x8x512xf32, #tpu.memory_space<hbm>> -> memref<1x8x512xf32, #tpu.memory_space<hbm>>
      %dma_wait3A_94 = tpu.memref_squeeze %dma_wait3A_93 : memref<1x8x512xf32, #tpu.memory_space<hbm>> -> memref<8x512xf32, #tpu.memory_space<hbm>>
      %dma_wait3A_95 = arith.constant 0 : i32
      %dma_wait3A_96 = arith.constant 0 : i32
      %dma_wait3A_97 = tpu.memref_slice %arg4[%mul3A_2, %dma_wait3A_95, %dma_wait3A_96] : memref<2048x8x512xf32, #tpu.memory_space<hbm>> -> memref<1x8x512xf32, #tpu.memory_space<hbm>>
      %dma_wait3A_98 = tpu.memref_squeeze %dma_wait3A_97 : memref<1x8x512xf32, #tpu.memory_space<hbm>> -> memref<8x512xf32, #tpu.memory_space<hbm>>
      %dma_wait3A_99 = arith.constant 0 : i32
      %dma_wait3A_100 = arith.constant 0 : i32
      %dma_wait3A_101 = tpu.memref_slice %arg7[%dma_wait3A_86, %dma_wait3A_99, %dma_wait3A_100] : memref<2x8x512xf32, #tpu.memory_space<vmem>> -> memref<1x8x512xf32, #tpu.memory_space<vmem>>
      %dma_wait3A_102 = tpu.memref_squeeze %dma_wait3A_101 : memref<1x8x512xf32, #tpu.memory_space<vmem>> -> memref<8x512xf32, #tpu.memory_space<vmem>>
      tpu.wait_dma2 semaphore(%arg8 : memref<!tpu.dma_semaphore, #tpu.memory_space<semaphore_mem>>) src(%dma_wait3A_102 : memref<8x512xf32, #tpu.memory_space<vmem>>) dst(%dma_wait3A_98 : memref<8x512xf32, #tpu.memory_space<hbm>>)
      %add3A_103 = arith.constant 0 : i32
      %add3A_104 = arith.addi %mul3A_85, %add3A_103 : i32
      %mul3A_105 = arith.constant 512 : i32
      %mul3A_106 = arith.muli %add3A_104, %mul3A_105 : i32
      %parallel_loop3A_107 = arith.constant 0 : i32
      %parallel_loop3A_108 = arith.constant 32 : i32
      %parallel_loop3A_109 = arith.constant 1 : i32
      scf.for %parallel_loop3A_174 = %parallel_loop3A_107 to %parallel_loop3A_108 step %parallel_loop3A_109  : i32 {
        %parallel_loop3A_175 = arith.constant 16 : i32
        %parallel_loop3A_176 = arith.muli %parallel_loop3A_174, %parallel_loop3A_175 : i32
        %parallel_loop3A_177 = arith.addi %mul3A_106, %parallel_loop3A_176 : i32
        %parallel_loop3A_178 = arith.index_cast %parallel_loop3A_177 : i32 to index
        %parallel_loop3A_179 = tpu.vector_load %arg5[%parallel_loop3A_178] {strides = array<i32>} : memref<32768xi32, #tpu.memory_space<vmem>>, vector<16xi32>,
        %parallel_loop3A_180 = arith.constant 0 : i32
        %parallel_loop3A_181 = arith.constant 0 : i32
        %parallel_loop3A_182 = tpu.memref_slice %arg6[%parallel_loop3A_180, %parallel_loop3A_181] : memref<8x257xf32, #tpu.memory_space<vmem>> -> memref<1x257xf32, #tpu.memory_space<vmem>>
        %parallel_loop3A_183 = tpu.memref_squeeze %parallel_loop3A_182 : memref<1x257xf32, #tpu.memory_space<vmem>> -> memref<257xf32, #tpu.memory_space<vmem>>
        %parallel_loop3A_184 = tpu.vector_load_idx %parallel_loop3A_183[%parallel_loop3A_179] : memref<257xf32, #tpu.memory_space<vmem>>[vector<16xi32>], vector<16xf32>,
        %parallel_loop3A_185 = arith.constant 0 : i32
        %parallel_loop3A_186 = arith.constant 0 : i32
        %parallel_loop3A_187 = arith.index_cast %parallel_loop3A_185 : i32 to index
        %parallel_loop3A_188 = arith.index_cast %parallel_loop3A_186 : i32 to index
        %parallel_loop3A_189 = arith.index_cast %parallel_loop3A_176 : i32 to index
        %parallel_loop3A_190 = tpu.vector_load %arg7[%parallel_loop3A_187, %parallel_loop3A_188, %parallel_loop3A_189] {strides = array<i32>} : memref<2x8x512xf32, #tpu.memory_space<vmem>>, vector<16xf32>,
        tpu.vector_store %arg7[%parallel_loop3A_187, %parallel_loop3A_188, %parallel_loop3A_189], %parallel_loop3A_184 {strides = array<i32>} : memref<2x8x512xf32, #tpu.memory_space<vmem>>, vector<16xf32>,
        %parallel_loop3A_191 = arith.constant 1 : i32
        %parallel_loop3A_192 = arith.constant 0 : i32
        %parallel_loop3A_193 = tpu.memref_slice %arg6[%parallel_loop3A_191, %parallel_loop3A_192] : memref<8x257xf32, #tpu.memory_space<vmem>> -> memref<1x257xf32, #tpu.memory_space<vmem>>
        %parallel_loop3A_194 = tpu.memref_squeeze %parallel_loop3A_193 : memref<1x257xf32, #tpu.memory_space<vmem>> -> memref<257xf32, #tpu.memory_space<vmem>>
        %parallel_loop3A_195 = tpu.vector_load_idx %parallel_loop3A_194[%parallel_loop3A_179] : memref<257xf32, #tpu.memory_space<vmem>>[vector<16xi32>], vector<16xf32>,
        %parallel_loop3A_196 = arith.constant 0 : i32
        %parallel_loop3A_197 = arith.constant 1 : i32
        %parallel_loop3A_198 = arith.index_cast %parallel_loop3A_196 : i32 to index
        %parallel_loop3A_199 = arith.index_cast %parallel_loop3A_197 : i32 to index
        %parallel_loop3A_200 = arith.index_cast %parallel_loop3A_176 : i32 to index
        %parallel_loop3A_201 = tpu.vector_load %arg7[%parallel_loop3A_198, %parallel_loop3A_199, %parallel_loop3A_200] {strides = array<i32>} : memref<2x8x512xf32, #tpu.memory_space<vmem>>, vector<16xf32>,
        tpu.vector_store %arg7[%parallel_loop3A_198, %parallel_loop3A_199, %parallel_loop3A_200], %parallel_loop3A_195 {strides = array<i32>} : memref<2x8x512xf32, #tpu.memory_space<vmem>>, vector<16xf32>,
        %parallel_loop3A_202 = arith.constant 2 : i32
        %parallel_loop3A_203 = arith.constant 0 : i32
        %parallel_loop3A_204 = tpu.memref_slice %arg6[%parallel_loop3A_202, %parallel_loop3A_203] : memref<8x257xf32, #tpu.memory_space<vmem>> -> memref<1x257xf32, #tpu.memory_space<vmem>>
        %parallel_loop3A_205 = tpu.memref_squeeze %parallel_loop3A_204 : memref<1x257xf32, #tpu.memory_space<vmem>> -> memref<257xf32, #tpu.memory_space<vmem>>
        %parallel_loop3A_206 = tpu.vector_load_idx %parallel_loop3A_205[%parallel_loop3A_179] : memref<257xf32, #tpu.memory_space<vmem>>[vector<16xi32>], vector<16xf32>,
        %parallel_loop3A_207 = arith.constant 0 : i32
        %parallel_loop3A_208 = arith.constant 2 : i32
        %parallel_loop3A_209 = arith.index_cast %parallel_loop3A_207 : i32 to index
        %parallel_loop3A_210 = arith.index_cast %parallel_loop3A_208 : i32 to index
        %parallel_loop3A_211 = arith.index_cast %parallel_loop3A_176 : i32 to index
        %parallel_loop3A_212 = tpu.vector_load %arg7[%parallel_loop3A_209, %parallel_loop3A_210, %parallel_loop3A_211] {strides = array<i32>} : memref<2x8x512xf32, #tpu.memory_space<vmem>>, vector<16xf32>,
        tpu.vector_store %arg7[%parallel_loop3A_209, %parallel_loop3A_210, %parallel_loop3A_211], %parallel_loop3A_206 {strides = array<i32>} : memref<2x8x512xf32, #tpu.memory_space<vmem>>, vector<16xf32>,
        %parallel_loop3A_213 = arith.constant 3 : i32
        %parallel_loop3A_214 = arith.constant 0 : i32
        %parallel_loop3A_215 = tpu.memref_slice %arg6[%parallel_loop3A_213, %parallel_loop3A_214] : memref<8x257xf32, #tpu.memory_space<vmem>> -> memref<1x257xf32, #tpu.memory_space<vmem>>
        %parallel_loop3A_216 = tpu.memref_squeeze %parallel_loop3A_215 : memref<1x257xf32, #tpu.memory_space<vmem>> -> memref<257xf32, #tpu.memory_space<vmem>>
        %parallel_loop3A_217 = tpu.vector_load_idx %parallel_loop3A_216[%parallel_loop3A_179] : memref<257xf32, #tpu.memory_space<vmem>>[vector<16xi32>], vector<16xf32>,
        %parallel_loop3A_218 = arith.constant 0 : i32
        %parallel_loop3A_219 = arith.constant 3 : i32
        %parallel_loop3A_220 = arith.index_cast %parallel_loop3A_218 : i32 to index
        %parallel_loop3A_221 = arith.index_cast %parallel_loop3A_219 : i32 to index
        %parallel_loop3A_222 = arith.index_cast %parallel_loop3A_176 : i32 to index
        %parallel_loop3A_223 = tpu.vector_load %arg7[%parallel_loop3A_220, %parallel_loop3A_221, %parallel_loop3A_222] {strides = array<i32>} : memref<2x8x512xf32, #tpu.memory_space<vmem>>, vector<16xf32>,
        tpu.vector_store %arg7[%parallel_loop3A_220, %parallel_loop3A_221, %parallel_loop3A_222], %parallel_loop3A_217 {strides = array<i32>} : memref<2x8x512xf32, #tpu.memory_space<vmem>>, vector<16xf32>,
        %parallel_loop3A_224 = arith.constant 4 : i32
        %parallel_loop3A_225 = arith.constant 0 : i32
        %parallel_loop3A_226 = tpu.memref_slice %arg6[%parallel_loop3A_224, %parallel_loop3A_225] : memref<8x257xf32, #tpu.memory_space<vmem>> -> memref<1x257xf32, #tpu.memory_space<vmem>>
        %parallel_loop3A_227 = tpu.memref_squeeze %parallel_loop3A_226 : memref<1x257xf32, #tpu.memory_space<vmem>> -> memref<257xf32, #tpu.memory_space<vmem>>
        %parallel_loop3A_228 = tpu.vector_load_idx %parallel_loop3A_227[%parallel_loop3A_179] : memref<257xf32, #tpu.memory_space<vmem>>[vector<16xi32>], vector<16xf32>,
        %parallel_loop3A_229 = arith.constant 0 : i32
        %parallel_loop3A_230 = arith.constant 4 : i32
        %parallel_loop3A_231 = arith.index_cast %parallel_loop3A_229 : i32 to index
        %parallel_loop3A_232 = arith.index_cast %parallel_loop3A_230 : i32 to index
        %parallel_loop3A_233 = arith.index_cast %parallel_loop3A_176 : i32 to index
        %parallel_loop3A_234 = tpu.vector_load %arg7[%parallel_loop3A_231, %parallel_loop3A_232, %parallel_loop3A_233] {strides = array<i32>} : memref<2x8x512xf32, #tpu.memory_space<vmem>>, vector<16xf32>,
        tpu.vector_store %arg7[%parallel_loop3A_231, %parallel_loop3A_232, %parallel_loop3A_233], %parallel_loop3A_228 {strides = array<i32>} : memref<2x8x512xf32, #tpu.memory_space<vmem>>, vector<16xf32>,
        %parallel_loop3A_235 = arith.constant 5 : i32
        %parallel_loop3A_236 = arith.constant 0 : i32
        %parallel_loop3A_237 = tpu.memref_slice %arg6[%parallel_loop3A_235, %parallel_loop3A_236] : memref<8x257xf32, #tpu.memory_space<vmem>> -> memref<1x257xf32, #tpu.memory_space<vmem>>
        %parallel_loop3A_238 = tpu.memref_squeeze %parallel_loop3A_237 : memref<1x257xf32, #tpu.memory_space<vmem>> -> memref<257xf32, #tpu.memory_space<vmem>>
        %parallel_loop3A_239 = tpu.vector_load_idx %parallel_loop3A_238[%parallel_loop3A_179] : memref<257xf32, #tpu.memory_space<vmem>>[vector<16xi32>], vector<16xf32>,
        %parallel_loop3A_240 = arith.constant 0 : i32
        %parallel_loop3A_241 = arith.constant 5 : i32
        %parallel_loop3A_242 = arith.index_cast %parallel_loop3A_240 : i32 to index
        %parallel_loop3A_243 = arith.index_cast %parallel_loop3A_241 : i32 to index
        %parallel_loop3A_244 = arith.index_cast %parallel_loop3A_176 : i32 to index
        %parallel_loop3A_245 = tpu.vector_load %arg7[%parallel_loop3A_242, %parallel_loop3A_243, %parallel_loop3A_244] {strides = array<i32>} : memref<2x8x512xf32, #tpu.memory_space<vmem>>, vector<16xf32>,
        tpu.vector_store %arg7[%parallel_loop3A_242, %parallel_loop3A_243, %parallel_loop3A_244], %parallel_loop3A_239 {strides = array<i32>} : memref<2x8x512xf32, #tpu.memory_space<vmem>>, vector<16xf32>,
        %parallel_loop3A_246 = arith.constant 6 : i32
        %parallel_loop3A_247 = arith.constant 0 : i32
        %parallel_loop3A_248 = tpu.memref_slice %arg6[%parallel_loop3A_246, %parallel_loop3A_247] : memref<8x257xf32, #tpu.memory_space<vmem>> -> memref<1x257xf32, #tpu.memory_space<vmem>>
        %parallel_loop3A_249 = tpu.memref_squeeze %parallel_loop3A_248 : memref<1x257xf32, #tpu.memory_space<vmem>> -> memref<257xf32, #tpu.memory_space<vmem>>
        %parallel_loop3A_250 = tpu.vector_load_idx %parallel_loop3A_249[%parallel_loop3A_179] : memref<257xf32, #tpu.memory_space<vmem>>[vector<16xi32>], vector<16xf32>,
        %parallel_loop3A_251 = arith.constant 0 : i32
        %parallel_loop3A_252 = arith.constant 6 : i32
        %parallel_loop3A_253 = arith.index_cast %parallel_loop3A_251 : i32 to index
        %parallel_loop3A_254 = arith.index_cast %parallel_loop3A_252 : i32 to index
        %parallel_loop3A_255 = arith.index_cast %parallel_loop3A_176 : i32 to index
        %parallel_loop3A_256 = tpu.vector_load %arg7[%parallel_loop3A_253, %parallel_loop3A_254, %parallel_loop3A_255] {strides = array<i32>} : memref<2x8x512xf32, #tpu.memory_space<vmem>>, vector<16xf32>,
        tpu.vector_store %arg7[%parallel_loop3A_253, %parallel_loop3A_254, %parallel_loop3A_255], %parallel_loop3A_250 {strides = array<i32>} : memref<2x8x512xf32, #tpu.memory_space<vmem>>, vector<16xf32>,
        %parallel_loop3A_257 = arith.constant 7 : i32
        %parallel_loop3A_258 = arith.constant 0 : i32
        %parallel_loop3A_259 = tpu.memref_slice %arg6[%parallel_loop3A_257, %parallel_loop3A_258] : memref<8x257xf32, #tpu.memory_space<vmem>> -> memref<1x257xf32, #tpu.memory_space<vmem>>
        %parallel_loop3A_260 = tpu.memref_squeeze %parallel_loop3A_259 : memref<1x257xf32, #tpu.memory_space<vmem>> -> memref<257xf32, #tpu.memory_space<vmem>>
        %parallel_loop3A_261 = tpu.vector_load_idx %parallel_loop3A_260[%parallel_loop3A_179] : memref<257xf32, #tpu.memory_space<vmem>>[vector<16xi32>], vector<16xf32>,
        %parallel_loop3A_262 = arith.constant 0 : i32
        %parallel_loop3A_263 = arith.constant 7 : i32
        %parallel_loop3A_264 = arith.index_cast %parallel_loop3A_262 : i32 to index
        %parallel_loop3A_265 = arith.index_cast %parallel_loop3A_263 : i32 to index
        %parallel_loop3A_266 = arith.index_cast %parallel_loop3A_176 : i32 to index
        %parallel_loop3A_267 = tpu.vector_load %arg7[%parallel_loop3A_264, %parallel_loop3A_265, %parallel_loop3A_266] {strides = array<i32>} : memref<2x8x512xf32, #tpu.memory_space<vmem>>, vector<16xf32>,
        tpu.vector_store %arg7[%parallel_loop3A_264, %parallel_loop3A_265, %parallel_loop3A_266], %parallel_loop3A_261 {strides = array<i32>} : memref<2x8x512xf32, #tpu.memory_space<vmem>>, vector<16xf32>,
      } {sc.loop_unroll_factor = 4 : i64, sc.parallel_access}
      %add3A_110 = arith.addi %mul3A_2, %mul3A_85 : i32
      %add3A_111 = arith.constant 0 : i32
      %add3A_112 = arith.addi %add3A_110, %add3A_111 : i32
      %dma_start3A_113 = arith.constant 0 : i32
      %dma_start3A_114 = arith.constant 0 : i32
      %dma_start3A_115 = arith.constant 0 : i32
      %dma_start3A_116 = tpu.memref_slice %arg7[%dma_start3A_113, %dma_start3A_114, %dma_start3A_115] : memref<2x8x512xf32, #tpu.memory_space<vmem>> -> memref<1x8x512xf32, #tpu.memory_space<vmem>>
      %dma_start3A_117 = tpu.memref_squeeze %dma_start3A_116 : memref<1x8x512xf32, #tpu.memory_space<vmem>> -> memref<8x512xf32, #tpu.memory_space<vmem>>
      %dma_start3A_118 = arith.constant 0 : i32
      %dma_start3A_119 = arith.constant 0 : i32
      %dma_start3A_120 = tpu.memref_slice %arg4[%add3A_112, %dma_start3A_118, %dma_start3A_119] : memref<2048x8x512xf32, #tpu.memory_space<hbm>> -> memref<1x8x512xf32, #tpu.memory_space<hbm>>
      %dma_start3A_121 = tpu.memref_squeeze %dma_start3A_120 : memref<1x8x512xf32, #tpu.memory_space<hbm>> -> memref<8x512xf32, #tpu.memory_space<hbm>>
      %dma_start3A_122 = arith.constant 0 : i32
      %dma_start3A_123 = arith.constant 0 : i32
      %dma_start3A_124 = tpu.memref_slice %arg4[%add3A_112, %dma_start3A_122, %dma_start3A_123] : memref<2048x8x512xf32, #tpu.memory_space<hbm>> -> memref<1x8x512xf32, #tpu.memory_space<hbm>>
      %dma_start3A_125 = tpu.memref_squeeze %dma_start3A_124 : memref<1x8x512xf32, #tpu.memory_space<hbm>> -> memref<8x512xf32, #tpu.memory_space<hbm>>
      %dma_start3A_126 = arith.constant 0 : i32
      %dma_start3A_127 = arith.constant 0 : i32
      %dma_start3A_128 = tpu.memref_slice %arg7[%dma_start3A_113, %dma_start3A_126, %dma_start3A_127] : memref<2x8x512xf32, #tpu.memory_space<vmem>> -> memref<1x8x512xf32, #tpu.memory_space<vmem>>
      %dma_start3A_129 = tpu.memref_squeeze %dma_start3A_128 : memref<1x8x512xf32, #tpu.memory_space<vmem>> -> memref<8x512xf32, #tpu.memory_space<vmem>>
      tpu.enqueue_dma source(%dma_start3A_129 : memref<8x512xf32, #tpu.memory_space<vmem>>) target(%dma_start3A_125 : memref<8x512xf32, #tpu.memory_space<hbm>>) target_semaphore(%arg8 : memref<!tpu.dma_semaphore, #tpu.memory_space<semaphore_mem>>)
      %dma_wait3A_130 = arith.constant 1 : i32
      %dma_wait3A_131 = arith.constant 0 : i32
      %dma_wait3A_132 = arith.constant 0 : i32
      %dma_wait3A_133 = tpu.memref_slice %arg7[%dma_wait3A_130, %dma_wait3A_131, %dma_wait3A_132] : memref<2x8x512xf32, #tpu.memory_space<vmem>> -> memref<1x8x512xf32, #tpu.memory_space<vmem>>
      %dma_wait3A_134 = tpu.memref_squeeze %dma_wait3A_133 : memref<1x8x512xf32, #tpu.memory_space<vmem>> -> memref<8x512xf32, #tpu.memory_space<vmem>>
      %dma_wait3A_135 = arith.constant 0 : i32
      %dma_wait3A_136 = arith.constant 0 : i32
      %dma_wait3A_137 = tpu.memref_slice %arg4[%mul3A_2, %dma_wait3A_135, %dma_wait3A_136] : memref<2048x8x512xf32, #tpu.memory_space<hbm>> -> memref<1x8x512xf32, #tpu.memory_space<hbm>>
      %dma_wait3A_138 = tpu.memref_squeeze %dma_wait3A_137 : memref<1x8x512xf32, #tpu.memory_space<hbm>> -> memref<8x512xf32, #tpu.memory_space<hbm>>
      %dma_wait3A_139 = arith.constant 0 : i32
      %dma_wait3A_140 = arith.constant 0 : i32
      %dma_wait3A_141 = tpu.memref_slice %arg4[%mul3A_2, %dma_wait3A_139, %dma_wait3A_140] : memref<2048x8x512xf32, #tpu.memory_space<hbm>> -> memref<1x8x512xf32, #tpu.memory_space<hbm>>
      %dma_wait3A_142 = tpu.memref_squeeze %dma_wait3A_141 : memref<1x8x512xf32, #tpu.memory_space<hbm>> -> memref<8x512xf32, #tpu.memory_space<hbm>>
      %dma_wait3A_143 = arith.constant 0 : i32
      %dma_wait3A_144 = arith.constant 0 : i32
      %dma_wait3A_145 = tpu.memref_slice %arg7[%dma_wait3A_130, %dma_wait3A_143, %dma_wait3A_144] : memref<2x8x512xf32, #tpu.memory_space<vmem>> -> memref<1x8x512xf32, #tpu.memory_space<vmem>>
      %dma_wait3A_146 = tpu.memref_squeeze %dma_wait3A_145 : memref<1x8x512xf32, #tpu.memory_space<vmem>> -> memref<8x512xf32, #tpu.memory_space<vmem>>
      tpu.wait_dma2 semaphore(%arg9 : memref<!tpu.dma_semaphore, #tpu.memory_space<semaphore_mem>>) src(%dma_wait3A_146 : memref<8x512xf32, #tpu.memory_space<vmem>>) dst(%dma_wait3A_142 : memref<8x512xf32, #tpu.memory_space<hbm>>)
      %add3A_147 = arith.constant 1 : i32
      %add3A_148 = arith.addi %mul3A_85, %add3A_147 : i32
      %mul3A_149 = arith.constant 512 : i32
      %mul3A_150 = arith.muli %add3A_148, %mul3A_149 : i32
      %parallel_loop3A_151 = arith.constant 0 : i32
      %parallel_loop3A_152 = arith.constant 32 : i32
      %parallel_loop3A_153 = arith.constant 1 : i32
      scf.for %parallel_loop3A_174 = %parallel_loop3A_151 to %parallel_loop3A_152 step %parallel_loop3A_153  : i32 {
        %parallel_loop3A_175 = arith.constant 16 : i32
        %parallel_loop3A_176 = arith.muli %parallel_loop3A_174, %parallel_loop3A_175 : i32
        %parallel_loop3A_177 = arith.addi %mul3A_150, %parallel_loop3A_176 : i32
        %parallel_loop3A_178 = arith.index_cast %parallel_loop3A_177 : i32 to index
        %parallel_loop3A_179 = tpu.vector_load %arg5[%parallel_loop3A_178] {strides = array<i32>} : memref<32768xi32, #tpu.memory_space<vmem>>, vector<16xi32>,
        %parallel_loop3A_180 = arith.constant 0 : i32
        %parallel_loop3A_181 = arith.constant 0 : i32
        %parallel_loop3A_182 = tpu.memref_slice %arg6[%parallel_loop3A_180, %parallel_loop3A_181] : memref<8x257xf32, #tpu.memory_space<vmem>> -> memref<1x257xf32, #tpu.memory_space<vmem>>
        %parallel_loop3A_183 = tpu.memref_squeeze %parallel_loop3A_182 : memref<1x257xf32, #tpu.memory_space<vmem>> -> memref<257xf32, #tpu.memory_space<vmem>>
        %parallel_loop3A_184 = tpu.vector_load_idx %parallel_loop3A_183[%parallel_loop3A_179] : memref<257xf32, #tpu.memory_space<vmem>>[vector<16xi32>], vector<16xf32>,
        %parallel_loop3A_185 = arith.constant 1 : i32
        %parallel_loop3A_186 = arith.constant 0 : i32
        %parallel_loop3A_187 = arith.index_cast %parallel_loop3A_185 : i32 to index
        %parallel_loop3A_188 = arith.index_cast %parallel_loop3A_186 : i32 to index
        %parallel_loop3A_189 = arith.index_cast %parallel_loop3A_176 : i32 to index
        %parallel_loop3A_190 = tpu.vector_load %arg7[%parallel_loop3A_187, %parallel_loop3A_188, %parallel_loop3A_189] {strides = array<i32>} : memref<2x8x512xf32, #tpu.memory_space<vmem>>, vector<16xf32>,
        tpu.vector_store %arg7[%parallel_loop3A_187, %parallel_loop3A_188, %parallel_loop3A_189], %parallel_loop3A_184 {strides = array<i32>} : memref<2x8x512xf32, #tpu.memory_space<vmem>>, vector<16xf32>,
        %parallel_loop3A_191 = arith.constant 1 : i32
        %parallel_loop3A_192 = arith.constant 0 : i32
        %parallel_loop3A_193 = tpu.memref_slice %arg6[%parallel_loop3A_191, %parallel_loop3A_192] : memref<8x257xf32, #tpu.memory_space<vmem>> -> memref<1x257xf32, #tpu.memory_space<vmem>>
        %parallel_loop3A_194 = tpu.memref_squeeze %parallel_loop3A_193 : memref<1x257xf32, #tpu.memory_space<vmem>> -> memref<257xf32, #tpu.memory_space<vmem>>
        %parallel_loop3A_195 = tpu.vector_load_idx %parallel_loop3A_194[%parallel_loop3A_179] : memref<257xf32, #tpu.memory_space<vmem>>[vector<16xi32>], vector<16xf32>,
        %parallel_loop3A_196 = arith.constant 1 : i32
        %parallel_loop3A_197 = arith.constant 1 : i32
        %parallel_loop3A_198 = arith.index_cast %parallel_loop3A_196 : i32 to index
        %parallel_loop3A_199 = arith.index_cast %parallel_loop3A_197 : i32 to index
        %parallel_loop3A_200 = arith.index_cast %parallel_loop3A_176 : i32 to index
        %parallel_loop3A_201 = tpu.vector_load %arg7[%parallel_loop3A_198, %parallel_loop3A_199, %parallel_loop3A_200] {strides = array<i32>} : memref<2x8x512xf32, #tpu.memory_space<vmem>>, vector<16xf32>,
        tpu.vector_store %arg7[%parallel_loop3A_198, %parallel_loop3A_199, %parallel_loop3A_200], %parallel_loop3A_195 {strides = array<i32>} : memref<2x8x512xf32, #tpu.memory_space<vmem>>, vector<16xf32>,
        %parallel_loop3A_202 = arith.constant 2 : i32
        %parallel_loop3A_203 = arith.constant 0 : i32
        %parallel_loop3A_204 = tpu.memref_slice %arg6[%parallel_loop3A_202, %parallel_loop3A_203] : memref<8x257xf32, #tpu.memory_space<vmem>> -> memref<1x257xf32, #tpu.memory_space<vmem>>
        %parallel_loop3A_205 = tpu.memref_squeeze %parallel_loop3A_204 : memref<1x257xf32, #tpu.memory_space<vmem>> -> memref<257xf32, #tpu.memory_space<vmem>>
        %parallel_loop3A_206 = tpu.vector_load_idx %parallel_loop3A_205[%parallel_loop3A_179] : memref<257xf32, #tpu.memory_space<vmem>>[vector<16xi32>], vector<16xf32>,
        %parallel_loop3A_207 = arith.constant 1 : i32
        %parallel_loop3A_208 = arith.constant 2 : i32
        %parallel_loop3A_209 = arith.index_cast %parallel_loop3A_207 : i32 to index
        %parallel_loop3A_210 = arith.index_cast %parallel_loop3A_208 : i32 to index
        %parallel_loop3A_211 = arith.index_cast %parallel_loop3A_176 : i32 to index
        %parallel_loop3A_212 = tpu.vector_load %arg7[%parallel_loop3A_209, %parallel_loop3A_210, %parallel_loop3A_211] {strides = array<i32>} : memref<2x8x512xf32, #tpu.memory_space<vmem>>, vector<16xf32>,
        tpu.vector_store %arg7[%parallel_loop3A_209, %parallel_loop3A_210, %parallel_loop3A_211], %parallel_loop3A_206 {strides = array<i32>} : memref<2x8x512xf32, #tpu.memory_space<vmem>>, vector<16xf32>,
        %parallel_loop3A_213 = arith.constant 3 : i32
        %parallel_loop3A_214 = arith.constant 0 : i32
        %parallel_loop3A_215 = tpu.memref_slice %arg6[%parallel_loop3A_213, %parallel_loop3A_214] : memref<8x257xf32, #tpu.memory_space<vmem>> -> memref<1x257xf32, #tpu.memory_space<vmem>>
        %parallel_loop3A_216 = tpu.memref_squeeze %parallel_loop3A_215 : memref<1x257xf32, #tpu.memory_space<vmem>> -> memref<257xf32, #tpu.memory_space<vmem>>
        %parallel_loop3A_217 = tpu.vector_load_idx %parallel_loop3A_216[%parallel_loop3A_179] : memref<257xf32, #tpu.memory_space<vmem>>[vector<16xi32>], vector<16xf32>,
        %parallel_loop3A_218 = arith.constant 1 : i32
        %parallel_loop3A_219 = arith.constant 3 : i32
        %parallel_loop3A_220 = arith.index_cast %parallel_loop3A_218 : i32 to index
        %parallel_loop3A_221 = arith.index_cast %parallel_loop3A_219 : i32 to index
        %parallel_loop3A_222 = arith.index_cast %parallel_loop3A_176 : i32 to index
        %parallel_loop3A_223 = tpu.vector_load %arg7[%parallel_loop3A_220, %parallel_loop3A_221, %parallel_loop3A_222] {strides = array<i32>} : memref<2x8x512xf32, #tpu.memory_space<vmem>>, vector<16xf32>,
        tpu.vector_store %arg7[%parallel_loop3A_220, %parallel_loop3A_221, %parallel_loop3A_222], %parallel_loop3A_217 {strides = array<i32>} : memref<2x8x512xf32, #tpu.memory_space<vmem>>, vector<16xf32>,
        %parallel_loop3A_224 = arith.constant 4 : i32
        %parallel_loop3A_225 = arith.constant 0 : i32
        %parallel_loop3A_226 = tpu.memref_slice %arg6[%parallel_loop3A_224, %parallel_loop3A_225] : memref<8x257xf32, #tpu.memory_space<vmem>> -> memref<1x257xf32, #tpu.memory_space<vmem>>
        %parallel_loop3A_227 = tpu.memref_squeeze %parallel_loop3A_226 : memref<1x257xf32, #tpu.memory_space<vmem>> -> memref<257xf32, #tpu.memory_space<vmem>>
        %parallel_loop3A_228 = tpu.vector_load_idx %parallel_loop3A_227[%parallel_loop3A_179] : memref<257xf32, #tpu.memory_space<vmem>>[vector<16xi32>], vector<16xf32>,
        %parallel_loop3A_229 = arith.constant 1 : i32
        %parallel_loop3A_230 = arith.constant 4 : i32
        %parallel_loop3A_231 = arith.index_cast %parallel_loop3A_229 : i32 to index
        %parallel_loop3A_232 = arith.index_cast %parallel_loop3A_230 : i32 to index
        %parallel_loop3A_233 = arith.index_cast %parallel_loop3A_176 : i32 to index
        %parallel_loop3A_234 = tpu.vector_load %arg7[%parallel_loop3A_231, %parallel_loop3A_232, %parallel_loop3A_233] {strides = array<i32>} : memref<2x8x512xf32, #tpu.memory_space<vmem>>, vector<16xf32>,
        tpu.vector_store %arg7[%parallel_loop3A_231, %parallel_loop3A_232, %parallel_loop3A_233], %parallel_loop3A_228 {strides = array<i32>} : memref<2x8x512xf32, #tpu.memory_space<vmem>>, vector<16xf32>,
        %parallel_loop3A_235 = arith.constant 5 : i32
        %parallel_loop3A_236 = arith.constant 0 : i32
        %parallel_loop3A_237 = tpu.memref_slice %arg6[%parallel_loop3A_235, %parallel_loop3A_236] : memref<8x257xf32, #tpu.memory_space<vmem>> -> memref<1x257xf32, #tpu.memory_space<vmem>>
        %parallel_loop3A_238 = tpu.memref_squeeze %parallel_loop3A_237 : memref<1x257xf32, #tpu.memory_space<vmem>> -> memref<257xf32, #tpu.memory_space<vmem>>
        %parallel_loop3A_239 = tpu.vector_load_idx %parallel_loop3A_238[%parallel_loop3A_179] : memref<257xf32, #tpu.memory_space<vmem>>[vector<16xi32>], vector<16xf32>,
        %parallel_loop3A_240 = arith.constant 1 : i32
        %parallel_loop3A_241 = arith.constant 5 : i32
        %parallel_loop3A_242 = arith.index_cast %parallel_loop3A_240 : i32 to index
        %parallel_loop3A_243 = arith.index_cast %parallel_loop3A_241 : i32 to index
        %parallel_loop3A_244 = arith.index_cast %parallel_loop3A_176 : i32 to index
        %parallel_loop3A_245 = tpu.vector_load %arg7[%parallel_loop3A_242, %parallel_loop3A_243, %parallel_loop3A_244] {strides = array<i32>} : memref<2x8x512xf32, #tpu.memory_space<vmem>>, vector<16xf32>,
        tpu.vector_store %arg7[%parallel_loop3A_242, %parallel_loop3A_243, %parallel_loop3A_244], %parallel_loop3A_239 {strides = array<i32>} : memref<2x8x512xf32, #tpu.memory_space<vmem>>, vector<16xf32>,
        %parallel_loop3A_246 = arith.constant 6 : i32
        %parallel_loop3A_247 = arith.constant 0 : i32
        %parallel_loop3A_248 = tpu.memref_slice %arg6[%parallel_loop3A_246, %parallel_loop3A_247] : memref<8x257xf32, #tpu.memory_space<vmem>> -> memref<1x257xf32, #tpu.memory_space<vmem>>
        %parallel_loop3A_249 = tpu.memref_squeeze %parallel_loop3A_248 : memref<1x257xf32, #tpu.memory_space<vmem>> -> memref<257xf32, #tpu.memory_space<vmem>>
        %parallel_loop3A_250 = tpu.vector_load_idx %parallel_loop3A_249[%parallel_loop3A_179] : memref<257xf32, #tpu.memory_space<vmem>>[vector<16xi32>], vector<16xf32>,
        %parallel_loop3A_251 = arith.constant 1 : i32
        %parallel_loop3A_252 = arith.constant 6 : i32
        %parallel_loop3A_253 = arith.index_cast %parallel_loop3A_251 : i32 to index
        %parallel_loop3A_254 = arith.index_cast %parallel_loop3A_252 : i32 to index
        %parallel_loop3A_255 = arith.index_cast %parallel_loop3A_176 : i32 to index
        %parallel_loop3A_256 = tpu.vector_load %arg7[%parallel_loop3A_253, %parallel_loop3A_254, %parallel_loop3A_255] {strides = array<i32>} : memref<2x8x512xf32, #tpu.memory_space<vmem>>, vector<16xf32>,
        tpu.vector_store %arg7[%parallel_loop3A_253, %parallel_loop3A_254, %parallel_loop3A_255], %parallel_loop3A_250 {strides = array<i32>} : memref<2x8x512xf32, #tpu.memory_space<vmem>>, vector<16xf32>,
        %parallel_loop3A_257 = arith.constant 7 : i32
        %parallel_loop3A_258 = arith.constant 0 : i32
        %parallel_loop3A_259 = tpu.memref_slice %arg6[%parallel_loop3A_257, %parallel_loop3A_258] : memref<8x257xf32, #tpu.memory_space<vmem>> -> memref<1x257xf32, #tpu.memory_space<vmem>>
        %parallel_loop3A_260 = tpu.memref_squeeze %parallel_loop3A_259 : memref<1x257xf32, #tpu.memory_space<vmem>> -> memref<257xf32, #tpu.memory_space<vmem>>
        %parallel_loop3A_261 = tpu.vector_load_idx %parallel_loop3A_260[%parallel_loop3A_179] : memref<257xf32, #tpu.memory_space<vmem>>[vector<16xi32>], vector<16xf32>,
        %parallel_loop3A_262 = arith.constant 1 : i32
        %parallel_loop3A_263 = arith.constant 7 : i32
        %parallel_loop3A_264 = arith.index_cast %parallel_loop3A_262 : i32 to index
        %parallel_loop3A_265 = arith.index_cast %parallel_loop3A_263 : i32 to index
        %parallel_loop3A_266 = arith.index_cast %parallel_loop3A_176 : i32 to index
        %parallel_loop3A_267 = tpu.vector_load %arg7[%parallel_loop3A_264, %parallel_loop3A_265, %parallel_loop3A_266] {strides = array<i32>} : memref<2x8x512xf32, #tpu.memory_space<vmem>>, vector<16xf32>,
        tpu.vector_store %arg7[%parallel_loop3A_264, %parallel_loop3A_265, %parallel_loop3A_266], %parallel_loop3A_261 {strides = array<i32>} : memref<2x8x512xf32, #tpu.memory_space<vmem>>, vector<16xf32>,
      } {sc.loop_unroll_factor = 4 : i64, sc.parallel_access}
      %add3A_154 = arith.addi %mul3A_2, %mul3A_85 : i32
      %add3A_155 = arith.constant 1 : i32
      %add3A_156 = arith.addi %add3A_154, %add3A_155 : i32
      %dma_start3A_157 = arith.constant 1 : i32
      %dma_start3A_158 = arith.constant 0 : i32
      %dma_start3A_159 = arith.constant 0 : i32
      %dma_start3A_160 = tpu.memref_slice %arg7[%dma_start3A_157, %dma_start3A_158, %dma_start3A_159] : memref<2x8x512xf32, #tpu.memory_space<vmem>> -> memref<1x8x512xf32, #tpu.memory_space<vmem>>
      %dma_start3A_161 = tpu.memref_squeeze %dma_start3A_160 : memref<1x8x512xf32, #tpu.memory_space<vmem>> -> memref<8x512xf32, #tpu.memory_space<vmem>>
      %dma_start3A_162 = arith.constant 0 : i32
      %dma_start3A_163 = arith.constant 0 : i32
      %dma_start3A_164 = tpu.memref_slice %arg4[%add3A_156, %dma_start3A_162, %dma_start3A_163] : memref<2048x8x512xf32, #tpu.memory_space<hbm>> -> memref<1x8x512xf32, #tpu.memory_space<hbm>>
      %dma_start3A_165 = tpu.memref_squeeze %dma_start3A_164 : memref<1x8x512xf32, #tpu.memory_space<hbm>> -> memref<8x512xf32, #tpu.memory_space<hbm>>
      %dma_start3A_166 = arith.constant 0 : i32
      %dma_start3A_167 = arith.constant 0 : i32
      %dma_start3A_168 = tpu.memref_slice %arg4[%add3A_156, %dma_start3A_166, %dma_start3A_167] : memref<2048x8x512xf32, #tpu.memory_space<hbm>> -> memref<1x8x512xf32, #tpu.memory_space<hbm>>
      %dma_start3A_169 = tpu.memref_squeeze %dma_start3A_168 : memref<1x8x512xf32, #tpu.memory_space<hbm>> -> memref<8x512xf32, #tpu.memory_space<hbm>>
      %dma_start3A_170 = arith.constant 0 : i32
      %dma_start3A_171 = arith.constant 0 : i32
      %dma_start3A_172 = tpu.memref_slice %arg7[%dma_start3A_157, %dma_start3A_170, %dma_start3A_171] : memref<2x8x512xf32, #tpu.memory_space<vmem>> -> memref<1x8x512xf32, #tpu.memory_space<vmem>>
      %dma_start3A_173 = tpu.memref_squeeze %dma_start3A_172 : memref<1x8x512xf32, #tpu.memory_space<vmem>> -> memref<8x512xf32, #tpu.memory_space<vmem>>
      tpu.enqueue_dma source(%dma_start3A_173 : memref<8x512xf32, #tpu.memory_space<vmem>>) target(%dma_start3A_169 : memref<8x512xf32, #tpu.memory_space<hbm>>) target_semaphore(%arg9 : memref<!tpu.dma_semaphore, #tpu.memory_space<semaphore_mem>>)
    }
    %scan3A_49 = arith.constant 31 : i32
    %dma_wait3A = arith.constant 0 : i32
    %dma_wait3A_50 = arith.constant 0 : i32
    %dma_wait3A_51 = arith.constant 0 : i32
    %dma_wait3A_52 = tpu.memref_slice %arg7[%dma_wait3A, %dma_wait3A_50, %dma_wait3A_51] : memref<2x8x512xf32, #tpu.memory_space<vmem>> -> memref<1x8x512xf32, #tpu.memory_space<vmem>>
    %dma_wait3A_53 = tpu.memref_squeeze %dma_wait3A_52 : memref<1x8x512xf32, #tpu.memory_space<vmem>> -> memref<8x512xf32, #tpu.memory_space<vmem>>
    %dma_wait3A_54 = arith.constant 0 : i32
    %dma_wait3A_55 = arith.constant 0 : i32
    %dma_wait3A_56 = tpu.memref_slice %arg4[%mul3A_2, %dma_wait3A_54, %dma_wait3A_55] : memref<2048x8x512xf32, #tpu.memory_space<hbm>> -> memref<1x8x512xf32, #tpu.memory_space<hbm>>
    %dma_wait3A_57 = tpu.memref_squeeze %dma_wait3A_56 : memref<1x8x512xf32, #tpu.memory_space<hbm>> -> memref<8x512xf32, #tpu.memory_space<hbm>>
    %dma_wait3A_58 = arith.constant 0 : i32
    %dma_wait3A_59 = arith.constant 0 : i32
    %dma_wait3A_60 = tpu.memref_slice %arg4[%mul3A_2, %dma_wait3A_58, %dma_wait3A_59] : memref<2048x8x512xf32, #tpu.memory_space<hbm>> -> memref<1x8x512xf32, #tpu.memory_space<hbm>>
    %dma_wait3A_61 = tpu.memref_squeeze %dma_wait3A_60 : memref<1x8x512xf32, #tpu.memory_space<hbm>> -> memref<8x512xf32, #tpu.memory_space<hbm>>
    %dma_wait3A_62 = arith.constant 0 : i32
    %dma_wait3A_63 = arith.constant 0 : i32
    %dma_wait3A_64 = tpu.memref_slice %arg7[%dma_wait3A, %dma_wait3A_62, %dma_wait3A_63] : memref<2x8x512xf32, #tpu.memory_space<vmem>> -> memref<1x8x512xf32, #tpu.memory_space<vmem>>
    %dma_wait3A_65 = tpu.memref_squeeze %dma_wait3A_64 : memref<1x8x512xf32, #tpu.memory_space<vmem>> -> memref<8x512xf32, #tpu.memory_space<vmem>>
    tpu.wait_dma2 semaphore(%arg8 : memref<!tpu.dma_semaphore, #tpu.memory_space<semaphore_mem>>) src(%dma_wait3A_65 : memref<8x512xf32, #tpu.memory_space<vmem>>) dst(%dma_wait3A_61 : memref<8x512xf32, #tpu.memory_space<hbm>>)
    %dma_wait3A_66 = arith.constant 1 : i32
    %dma_wait3A_67 = arith.constant 0 : i32
    %dma_wait3A_68 = arith.constant 0 : i32
    %dma_wait3A_69 = tpu.memref_slice %arg7[%dma_wait3A_66, %dma_wait3A_67, %dma_wait3A_68] : memref<2x8x512xf32, #tpu.memory_space<vmem>> -> memref<1x8x512xf32, #tpu.memory_space<vmem>>
    %dma_wait3A_70 = tpu.memref_squeeze %dma_wait3A_69 : memref<1x8x512xf32, #tpu.memory_space<vmem>> -> memref<8x512xf32, #tpu.memory_space<vmem>>
    %dma_wait3A_71 = arith.constant 0 : i32
    %dma_wait3A_72 = arith.constant 0 : i32
    %dma_wait3A_73 = tpu.memref_slice %arg4[%mul3A_2, %dma_wait3A_71, %dma_wait3A_72] : memref<2048x8x512xf32, #tpu.memory_space<hbm>> -> memref<1x8x512xf32, #tpu.memory_space<hbm>>
    %dma_wait3A_74 = tpu.memref_squeeze %dma_wait3A_73 : memref<1x8x512xf32, #tpu.memory_space<hbm>> -> memref<8x512xf32, #tpu.memory_space<hbm>>
    %dma_wait3A_75 = arith.constant 0 : i32
    %dma_wait3A_76 = arith.constant 0 : i32
    %dma_wait3A_77 = tpu.memref_slice %arg4[%mul3A_2, %dma_wait3A_75, %dma_wait3A_76] : memref<2048x8x512xf32, #tpu.memory_space<hbm>> -> memref<1x8x512xf32, #tpu.memory_space<hbm>>
    %dma_wait3A_78 = tpu.memref_squeeze %dma_wait3A_77 : memref<1x8x512xf32, #tpu.memory_space<hbm>> -> memref<8x512xf32, #tpu.memory_space<hbm>>
    %dma_wait3A_79 = arith.constant 0 : i32
    %dma_wait3A_80 = arith.constant 0 : i32
    %dma_wait3A_81 = tpu.memref_slice %arg7[%dma_wait3A_66, %dma_wait3A_79, %dma_wait3A_80] : memref<2x8x512xf32, #tpu.memory_space<vmem>> -> memref<1x8x512xf32, #tpu.memory_space<vmem>>
    %dma_wait3A_82 = tpu.memref_squeeze %dma_wait3A_81 : memref<1x8x512xf32, #tpu.memory_space<vmem>> -> memref<8x512xf32, #tpu.memory_space<vmem>>
    tpu.wait_dma2 semaphore(%arg9 : memref<!tpu.dma_semaphore, #tpu.memory_space<semaphore_mem>>) src(%dma_wait3A_82 : memref<8x512xf32, #tpu.memory_space<vmem>>) dst(%dma_wait3A_78 : memref<8x512xf32, #tpu.memory_space<hbm>>)
    return
  }
}

module attributes {stable_mosaic.version = 14 : i64} {
  func.func @_tc_body(%arg0: i32, %arg1: memref<256x4096xf32, #tpu.memory_space<vmem>>, %arg2: memref<4096x128xf32, #tpu.memory_space<vmem>>, %arg3: memref<1x128xf32, #tpu.memory_space<vmem>>, %arg4: memref<1x4096xf32, #tpu.memory_space<vmem>>, %arg5: memref<8x128xf32, #tpu.memory_space<vmem>>, %arg6: memref<8x128xf32, #tpu.memory_space<vmem>>, %arg7: memref<8x128xf32, #tpu.memory_space<vmem>>) attributes {dimension_semantics = [#tpu.dimension_semantics<arbitrary>], iteration_bounds = array<i64: 8>, scalar_prefetch = 0 : i64, scratch_operands = 2 : i64, tpu.core_type = #tpu.core_type<tc>, window_params = [{transform_indices = @transform_0, window_bounds = array<i64: 256, 4096>}, {pipeline_mode = #tpu.pipeline_mode<synchronous>, transform_indices = @transform_1, window_bounds = array<i64: 4096, 128>}, {pipeline_mode = #tpu.pipeline_mode<synchronous>, transform_indices = @transform_2, window_bounds = array<i64: 1, 128>}, {pipeline_mode = #tpu.pipeline_mode<synchronous>, transform_indices = @transform_3, window_bounds = array<i64: 1, 4096>}, {pipeline_mode = #tpu.pipeline_mode<synchronous>, transform_indices = @transform_4, window_bounds = array<i64: 8, 128>}]} {
    %get3A = arith.constant 0 : index
    %get3A_0 = arith.constant 0 : index
    %get3A_1 = vector.load %arg1[%get3A, %get3A_0] : memref<256x4096xf32, #tpu.memory_space<vmem>>, vector<256x4096xf32>
    %get3A_2 = arith.constant 0 : index
    %get3A_3 = arith.constant 0 : index
    %get3A_4 = vector.load %arg2[%get3A_2, %get3A_3] : memref<4096x128xf32, #tpu.memory_space<vmem>>, vector<4096x128xf32>
    %dot_general3A = arith.constant dense<0.000000e+00> : vector<256x128xf32>
    %dot_general3A_5 = tpu.matmul %get3A_1, %get3A_4, %dot_general3A {dimension_numbers = #tpu.dot_dimension_numbers<[1], [0], [0], [1], [0, 0, 1, 1], [], []>, transpose_lhs_hint = false} : vector<256x4096xf32>, vector<4096x128xf32>, vector<256x128xf32> -> vector<256x128xf32>
    %get3A_6 = arith.constant 0 : index
    %get3A_7 = arith.constant 0 : index
    %get3A_8 = vector.load %arg3[%get3A_6, %get3A_7] : memref<1x128xf32, #tpu.memory_space<vmem>>, vector<1x128xf32>
    %add3A = vector.broadcast %get3A_8 : vector<1x128xf32> to vector<256x128xf32>
    %add3A_9 = arith.addf %dot_general3A_5, %add3A : vector<256x128xf32>
    %max3A = arith.constant 0.000000e+00 : f32
    %max3A_10 = vector.broadcast %max3A : f32 to vector<256x128xf32>
    %max3A_11 = arith.maximumf %add3A_9, %max3A_10 : vector<256x128xf32>
    %reduce_max3A = arith.constant dense<0xFF800000> : vector<128xf32>
    %reduce_max3A_12 = vector.multi_reduction <maximumf>, %max3A_11, %reduce_max3A [0] : vector<256x128xf32> to vector<128xf32>
    %broadcast_in_dim3A = vector.shape_cast %reduce_max3A_12 : vector<128xf32> to vector<1x128xf32>
    %iota3A = tpu.iota {dimensions = array<i32: 0>} : vector<256x128xi32>
    %eq3A = vector.broadcast %broadcast_in_dim3A : vector<1x128xf32> to vector<256x128xf32>
    %eq3A_13 = arith.cmpf oeq, %max3A_11, %eq3A : vector<256x128xf32>
    %jit3A = arith.constant 256 : i32
    %broadcast_in_dim3A_14 = vector.broadcast %jit3A : i32 to vector<256x128xi32>
    %select_n3A = arith.select %eq3A_13, %iota3A, %broadcast_in_dim3A_14 : vector<256x128xi1>, vector<256x128xi32>
    %reduce_min3A = arith.constant dense<2147483647> : vector<128xi32>
    %reduce_min3A_15 = vector.multi_reduction <minsi>, %select_n3A, %reduce_min3A [0] : vector<256x128xi32> to vector<128xi32>
    %broadcast_in_dim3A_16 = vector.shape_cast %reduce_min3A_15 : vector<128xi32> to vector<1x128xi32>
    %eq3A_17 = vector.broadcast %broadcast_in_dim3A_16 : vector<1x128xi32> to vector<256x128xi32>
    %eq3A_18 = arith.cmpi eq, %iota3A, %eq3A_17 : vector<256x128xi32>
    %reduce_or3A = arith.constant 1.000000e+00 : f32
    %reduce_or3A_19 = arith.constant 0.000000e+00 : f32
    %reduce_or3A_20 = vector.broadcast %reduce_or3A : f32 to vector<256x128xf32>
    %reduce_or3A_21 = vector.broadcast %reduce_or3A_19 : f32 to vector<256x128xf32>
    %reduce_or3A_22 = arith.select %eq3A_18, %reduce_or3A_20, %reduce_or3A_21 : vector<256x128xi1>, vector<256x128xf32>
    %reduce_or3A_23 = arith.constant dense<0xFF800000> : vector<256xf32>
    %reduce_or3A_24 = vector.multi_reduction <maximumf>, %reduce_or3A_22, %reduce_or3A_23 [1] : vector<256x128xf32> to vector<256xf32>
    %reduce_or3A_25 = arith.constant 0.000000e+00 : f32
    %reduce_or3A_26 = vector.broadcast %reduce_or3A_25 : f32 to vector<256xf32>
    %reduce_or3A_27 = arith.cmpf ogt, %reduce_or3A_24, %reduce_or3A_26 : vector<256xf32>
    %broadcast_in_dim3A_28 = vector.shape_cast %reduce_or3A_27 : vector<256xi1> to vector<256x1xi1>
    %convert_element_type3A = arith.extui %broadcast_in_dim3A_28 : vector<256x1xi1> to vector<256x1xi32>
    %convert_element_type3A_29 = arith.sitofp %convert_element_type3A : vector<256x1xi32> to vector<256x1xf32>
    %reduce_sum3A = vector.shape_cast %convert_element_type3A_29 : vector<256x1xf32> to vector<1x256x1xf32>
    %reduce_sum3A_30 = arith.constant dense<0.000000e+00> : vector<1xf32>
    %reduce_sum3A_31 = vector.multi_reduction <add>, %reduce_sum3A, %reduce_sum3A_30 [1, 2] : vector<1x256x1xf32> to vector<1xf32>
    %reduce_sum3A_32 = vector.shape_cast %reduce_sum3A_31 : vector<1xf32> to vector<1x1x1xf32>
    %reduce_sum3A_33 = vector.extract %reduce_sum3A_32[0, 0, 0] : f32 from vector<1x1x1xf32>
    %eq3A_34 = arith.constant 0 : i32
    %eq3A_35 = vector.broadcast %eq3A_34 : i32 to vector<1x128xi32>
    %eq3A_36 = arith.cmpi eq, %broadcast_in_dim3A_16, %eq3A_35 : vector<1x128xi32>
    %jit3A_37 = arith.constant 1.000000e+00 : f32
    %jit3A_38 = arith.constant 0.000000e+00 : f32
    %broadcast_in_dim3A_39 = vector.broadcast %jit3A_37 : f32 to vector<1x128xf32>
    %broadcast_in_dim3A_40 = vector.broadcast %jit3A_38 : f32 to vector<1x128xf32>
    %select_n3A_41 = arith.select %eq3A_36, %broadcast_in_dim3A_39, %broadcast_in_dim3A_40 : vector<1x128xi1>, vector<1x128xf32>
    %reduce_max3A_42 = vector.shape_cast %select_n3A_41 : vector<1x128xf32> to vector<1x1x128xf32>
    %reduce_max3A_43 = arith.constant dense<0xFF800000> : vector<1xf32>
    %reduce_max3A_44 = vector.multi_reduction <maximumf>, %reduce_max3A_42, %reduce_max3A_43 [1, 2] : vector<1x1x128xf32> to vector<1xf32>
    %reduce_max3A_45 = vector.shape_cast %reduce_max3A_44 : vector<1xf32> to vector<1x1x1xf32>
    %reduce_max3A_46 = vector.extract %reduce_max3A_45[0, 0, 0] : f32 from vector<1x1x1xf32>
    %mul3A = arith.constant 2.000000e+00 : f32
    %mul3A_47 = arith.mulf %mul3A, %reduce_sum3A_33 : f32
    %sub3A = arith.subf %mul3A_47, %reduce_max3A_46 : f32
    %swap3A = arith.index_cast %arg0 : i32 to index
    %swap3A_48 = arith.constant 0 : index
    %swap3A_49 = vector.load %arg6[%swap3A, %swap3A_48] : memref<8x128xf32, #tpu.memory_space<vmem>>, vector<1x128xf32>
    tpu.vector_store %arg6[%swap3A, %swap3A_48], %broadcast_in_dim3A {strides = array<i32>} : memref<8x128xf32, #tpu.memory_space<vmem>>, vector<1x128xf32>,
    %broadcast_in_dim3A_50 = vector.broadcast %sub3A : f32 to vector<1x128xf32>
    %swap3A_51 = arith.index_cast %arg0 : i32 to index
    %swap3A_52 = arith.constant 0 : index
    %swap3A_53 = vector.load %arg7[%swap3A_51, %swap3A_52] : memref<8x128xf32, #tpu.memory_space<vmem>>, vector<1x128xf32>
    tpu.vector_store %arg7[%swap3A_51, %swap3A_52], %broadcast_in_dim3A_50 {strides = array<i32>} : memref<8x128xf32, #tpu.memory_space<vmem>>, vector<1x128xf32>,
    %eq3A_54 = arith.constant 7 : i32
    %eq3A_55 = arith.cmpi eq, %arg0, %eq3A_54 : i32
    %convert_element_type3A_56 = arith.extui %eq3A_55 : i1 to i32
    %cond3A = arith.constant 0 : i32
    %cond3A_57 = arith.cmpi ne, %convert_element_type3A_56, %cond3A : i32
    scf.if %cond3A_57 {
      %get3A_58 = arith.constant 0 : index
      %get3A_59 = arith.constant 0 : index
      %get3A_60 = vector.load %arg4[%get3A_58, %get3A_59] : memref<1x4096xf32, #tpu.memory_space<vmem>>, vector<1x4096xf32>
      %get3A_61 = arith.constant 0 : index
      %get3A_62 = arith.constant 0 : index
      %get3A_63 = vector.load %arg2[%get3A_61, %get3A_62] : memref<4096x128xf32, #tpu.memory_space<vmem>>, vector<4096x128xf32>
      %dot_general3A_64 = arith.constant dense<0.000000e+00> : vector<1x128xf32>
      %dot_general3A_65 = tpu.matmul %get3A_60, %get3A_63, %dot_general3A_64 {dimension_numbers = #tpu.dot_dimension_numbers<[1], [0], [0], [1], [0, 0, 1, 1], [], []>, transpose_lhs_hint = false} : vector<1x4096xf32>, vector<4096x128xf32>, vector<1x128xf32> -> vector<1x128xf32>
      %get3A_66 = arith.constant 0 : index
      %get3A_67 = arith.constant 0 : index
      %get3A_68 = vector.load %arg3[%get3A_66, %get3A_67] : memref<1x128xf32, #tpu.memory_space<vmem>>, vector<1x128xf32>
      %add3A_69 = arith.addf %dot_general3A_65, %get3A_68 : vector<1x128xf32>
      %max3A_70 = arith.constant 0.000000e+00 : f32
      %max3A_71 = vector.broadcast %max3A_70 : f32 to vector<1x128xf32>
      %max3A_72 = arith.maximumf %add3A_69, %max3A_71 : vector<1x128xf32>
      %get3A_73 = arith.constant 0 : index
      %get3A_74 = arith.constant 0 : index
      %get3A_75 = vector.load %arg7[%get3A_73, %get3A_74] : memref<8x128xf32, #tpu.memory_space<vmem>>, vector<8x128xf32>
      %reduce_max3A_76 = vector.shape_cast %get3A_75 : vector<8x128xf32> to vector<1x8x128xf32>
      %reduce_max3A_77 = arith.constant dense<0xFF800000> : vector<1xf32>
      %reduce_max3A_78 = vector.multi_reduction <maximumf>, %reduce_max3A_76, %reduce_max3A_77 [1, 2] : vector<1x8x128xf32> to vector<1xf32>
      %reduce_max3A_79 = vector.shape_cast %reduce_max3A_78 : vector<1xf32> to vector<1x1x1xf32>
      %reduce_max3A_80 = vector.extract %reduce_max3A_79[0, 0, 0] : f32 from vector<1x1x1xf32>
      %max3A_81 = arith.constant 1.000000e+00 : f32
      %max3A_82 = arith.maximumf %reduce_max3A_80, %max3A_81 : f32
      %lt3A = vector.broadcast %max3A_82 : f32 to vector<8x128xf32>
      %lt3A_83 = arith.cmpf olt, %get3A_75, %lt3A : vector<8x128xf32>
      %get3A_84 = arith.constant 0 : index
      %get3A_85 = arith.constant 0 : index
      %get3A_86 = vector.load %arg6[%get3A_84, %get3A_85] : memref<8x128xf32, #tpu.memory_space<vmem>>, vector<8x128xf32>
      %jit3A_87 = arith.constant -1.000000e+00 : f32
      %broadcast_in_dim3A_88 = vector.shape_cast %max3A_72 : vector<1x128xf32> to vector<1x128xf32>
      %broadcast_in_dim3A_89 = vector.broadcast %broadcast_in_dim3A_88 : vector<1x128xf32> to vector<8x128xf32>
      %broadcast_in_dim3A_90 = vector.broadcast %jit3A_87 : f32 to vector<8x128xf32>
      %select_n3A_91 = arith.select %lt3A_83, %broadcast_in_dim3A_89, %broadcast_in_dim3A_90 : vector<8x128xi1>, vector<8x128xf32>
      %max3A_92 = arith.maximumf %get3A_86, %select_n3A_91 : vector<8x128xf32>
      %swap3A_93 = arith.constant 0 : index
      %swap3A_94 = arith.constant 0 : index
      %swap3A_95 = vector.load %arg5[%swap3A_93, %swap3A_94] : memref<8x128xf32, #tpu.memory_space<vmem>>, vector<8x128xf32>
      tpu.vector_store %arg5[%swap3A_93, %swap3A_94], %max3A_92 {strides = array<i32>} : memref<8x128xf32, #tpu.memory_space<vmem>>, vector<8x128xf32>,
    } else {
    }
    return
  }
  func.func @transform_0(%arg0: i32) -> (i32, i32) {
    %c0_i32 = arith.constant 0 : i32
    %c0_i32_0 = arith.constant 0 : i32
    return %arg0, %c0_i32 : i32, i32
  }
  func.func @transform_1(%arg0: i32) -> (i32, i32) {
    %c0_i32 = arith.constant 0 : i32
    %c0_i32_0 = arith.constant 0 : i32
    %c0_i32_1 = arith.constant 0 : i32
    return %c0_i32, %c0_i32_0 : i32, i32
  }
  func.func @transform_2(%arg0: i32) -> (i32, i32) {
    %c0_i32 = arith.constant 0 : i32
    %c0_i32_0 = arith.constant 0 : i32
    %c0_i32_1 = arith.constant 0 : i32
    return %c0_i32, %c0_i32_0 : i32, i32
  }
  func.func @transform_3(%arg0: i32) -> (i32, i32) {
    %c0_i32 = arith.constant 0 : i32
    %c0_i32_0 = arith.constant 0 : i32
    %c0_i32_1 = arith.constant 0 : i32
    return %c0_i32, %c0_i32_0 : i32, i32
  }
  func.func @transform_4(%arg0: i32) -> (i32, i32) {
    %c0_i32 = arith.constant 0 : i32
    %c0_i32_0 = arith.constant 0 : i32
    %c0_i32_1 = arith.constant 0 : i32
    return %c0_i32, %c0_i32_0 : i32, i32
  }
}

</mosaic_0001>

<sc_bundles>
// kernel: kernel.4.cloned.1.call-start
scs
__scs_entry_jumppad:
0x0: {  	(pc) =	sbr.rel $0x88, $3  }
0x1: {  	(tag) =	ssettag $0x0;
	lr =	simm.s32 $0x1  }
0x2: {  	[smem:$0x3F9D] =	sst lr;
	_ =	strace $0xD0000000  }
0x3: {  	_ = 	snop  }
0x4: {  	_ = 	snop  }
0x5: {  	_ = 	snop  }
0x6: {  	_ = 	snop  }
0x7: {  	_ = 	snop  }
__scs_overlays_trampoline_lowered:
0x8: {  	[smem:$0x3FAC] =	sst s0  }
0x9: {  	[smem:$0x3FAD] =	sst s1  }
0xa: {  	[smem:$0x3FAE] =	sst s2  }
0xb: {  	[smem:$0x3FAF] =	sst s3  }
0xc: {  	[smem:$0x3FB0] =	sst s4  }
0xd: {  	[smem:$0x3FB1] =	sst s5  }
0xe: {  	[smem:$0x3FB2] =	sst s6  }
0xf: {  	[smem:$0x3FB3] =	sst s7  }
0x10: {  	[smem:$0x3FB4] =	sst s8  }
0x11: {  	[smem:$0x3FB5] =	sst s9;
	s0 =	simm.s32 @!p0 $0x0  }
0x12: {  	s1 =	sld [smem:$0x3F9B];
	s0 =	simm.s32 @p0 $0x1  }
0x13: {  	[smem:$0x3FB6] =	sst s0;
	s0 =	simm.s32 @!p1 $0x0  }
0x14: {  	s2 =	sld [smem:$0x3F9A];
	s0 =	simm.s32 @p1 $0x1  }
0x15: {  	[smem:$0x3FB7] =	sst s0;
	s0 =	simm.s32 @!p2 $0x0  }
0x16: {  	s3 =	sld [smem:$0x3FDB];
	s0 =	simm.s32 @p2 $0x1  }
0x17: {  	s4 =	simm.s32 $0x1BF5;
	[smem:$0x3FB9] =	sst s0  }
0x18: {  	s0 =	sld [smem:$0x3F9C];
	_ =	swait.ge [sflag:s4], $0x0  }
0x19: {  	s7 =	sld [smem:$0x3F9D]  }
0x1a: {  	s8 =	sadd.s32 $0xFFFFE003, lr  }
0x1b: {  	s9 =	sadd.s32 $0xFFFFFEF7, lr;
	s5 =	simm.s32 $0xFFFFFFFF;
	p2 =	slt.u32 s8, $0xFFFFF086  }
0x1c: {  	p1 =	slt.u32 s9, $0xF7A;
	s5 =	simm.s32 @!p2 $0x0  }
0x1d: {  	s5 =	simm.s32 @p1 $0x1;
	p0 =	seq.s32 s7, s2  }
0x1e: {  	s7 =	smul.u32 @!p0 $0xF7A, s2;
	p2 =	seq.s32 @!p0 s5, $0x0  }
0x1f: {  	s9 =	smul.u32 $0xF7A, s1;
	s8 =	simm.s32 @!p0 $0x1BF5;
	p2 =	por !p2, p0  }
0x20: {  	[sflag:s8] =	ssyncset.s32 @!p0 $0xFFFFF086;
	s6 =	sadd.s32 @!p0 s3, s7;
	s7 =	simm.s32 @!p0 $0x108  }
0x21: {  	s3 =	sadd.s32 s3, s9;
	s6 =	sadd.s32 @!p0 $0x88, s6;
	s7 =	simm.s32 @p2 $0x1082  }
0x22: {  	[simem:s7], [sflag:s8] =	dma.local @!p0 [hbm:s6], $0xF7A  }
0x23: {  	s9 =	sor.u32 $0xD0000000, s2;
	s6 =	simm.s32 $0x108;
	_ =	swait.ge @!p0 [sflag:s8], $0x0  }
0x24: {  	s3 =	sadd.s32 $0x88, s3;
	s6 =	simm.s32 @!p1 $0x1082;
	[sflag:s4] =	ssyncset.s32 $0xFFFFF086  }
0x25: {  	[simem:s6], [sflag:s4] =	dma.local [hbm:s3], $0xF7A  }
0x26: {  	[smem:$0x3F9D] =	sst s1;
	(tag) =	ssettag s2;
	_ =	strace s9  }
0x27: {  	s1 =	sld [smem:$0x3FAD]  }
0x28: {  	s2 =	sld [smem:$0x3FAE]  }
0x29: {  	s4 =	sld [smem:$0x3FB0]  }
0x2a: {  	p0 =	seq.s32 s5, $0x0;
	s5 =	sld [smem:$0x3FB1]  }
0x2b: {  	s6 =	sld [smem:$0x3FB2]  }
0x2c: {  	s7 =	sld [smem:$0x3FB3]  }
0x2d: {  	s3 =	simm.s32 $0x108;
	s8 =	sld [smem:$0x3FB4]  }
0x2e: {  	s3 =	simm.s32 @!p0 $0x1082;
	s9 =	sld [smem:$0x3FB5]  }
0x2f: {  	lr =	sadd.s32 s0, s3;
	s0 =	sld [smem:$0x3FAC]  }
0x30: {  	s3 =	sld [smem:$0x3FAF]  }
0x31: {  	[smem:$0x3FB8] =	sst s10  }
0x32: {  	s10 =	sld [smem:$0x3FB6];
	_ =	sdelay $0x3  }
0x33: {  	p0 =	seq.s32 s10, $0x1;
	s10 =	sld [smem:$0x3FB8];
	_ =	sdelay $0x3  }
0x34: {  	[smem:$0x3FB8] =	sst s10  }
0x35: {  	s10 =	sld [smem:$0x3FB7];
	_ =	sdelay $0x3  }
0x36: {  	p1 =	seq.s32 s10, $0x1;
	s10 =	sld [smem:$0x3FB8];
	_ =	sdelay $0x3  }
0x37: {  	[smem:$0x3FB8] =	sst s10  }
0x38: {  	s10 =	sld [smem:$0x3FB9]  }
0x39: {  	_ = 	snop;
	(pc) =	sbr.ind lr, $3  }
0x3a: {  	_ = 	snop  }
0x3b: {  	_ = 	snop  }
0x3c: {  	p2 =	seq.s32 s10, $0x1;
	s10 =	sld [smem:$0x3FB8]  }
0x3d: {  	_ =	shalt  }
0x3e: {  	_ =	shalt  }
0x3f: {  	_ =	shalt  }
0x40: {  	_ =	shalt  }
0x41: {  	_ =	shalt  }
0x42: {  	_ =	shalt  }
0x43: {  	_ =	shalt  }
0x44: {  	_ =	shalt  }
0x45: {  	_ =	shalt  }
0x46: {  	_ =	shalt  }
0x47: {  	_ =	shalt  }
0x48: {  	_ =	shalt  }
0x49: {  	_ =	shalt  }
0x4a: {  	_ =	shalt  }
0x4b: {  	_ =	shalt  }
0x4c: {  	_ =	shalt  }
0x4d: {  	_ =	shalt  }
0x4e: {  	_ =	shalt  }
0x4f: {  	_ =	shalt  }
0x50: {  	_ =	shalt  }
0x51: {  	_ =	shalt  }
0x52: {  	_ =	shalt  }
0x53: {  	_ =	shalt  }
0x54: {  	_ =	shalt  }
0x55: {  	_ =	shalt  }
0x56: {  	_ =	shalt  }
0x57: {  	_ =	shalt  }
0x58: {  	_ =	shalt  }
0x59: {  	_ =	shalt  }
0x5a: {  	_ =	shalt  }
0x5b: {  	_ =	shalt  }
0x5c: {  	_ =	shalt  }
0x5d: {  	_ =	shalt  }
0x5e: {  	_ =	shalt  }
0x5f: {  	_ =	shalt  }
0x60: {  	_ =	shalt  }
0x61: {  	_ =	shalt  }
0x62: {  	_ =	shalt  }
0x63: {  	_ =	shalt  }
0x64: {  	_ =	shalt  }
0x65: {  	_ =	shalt  }
0x66: {  	_ =	shalt  }
0x67: {  	_ =	shalt  }
0x68: {  	_ =	shalt  }
0x69: {  	_ =	shalt  }
0x6a: {  	_ =	shalt  }
0x6b: {  	_ =	shalt  }
0x6c: {  	_ =	shalt  }
0x6d: {  	_ =	shalt  }
0x6e: {  	_ =	shalt  }
0x6f: {  	_ =	shalt  }
0x70: {  	_ =	shalt  }
0x71: {  	_ =	shalt  }
0x72: {  	_ =	shalt  }
0x73: {  	_ =	shalt  }
0x74: {  	_ =	shalt  }
0x75: {  	_ =	shalt  }
0x76: {  	_ =	shalt  }
0x77: {  	_ =	shalt  }
0x78: {  	_ =	shalt  }
0x79: {  	_ =	shalt  }
0x7a: {  	_ =	shalt  }
0x7b: {  	_ =	shalt  }
0x7c: {  	_ =	shalt  }
0x7d: {  	_ =	shalt  }
0x7e: {  	_ =	shalt  }
0x7f: {  	_ =	shalt  }
0x80: {  	_ =	shalt  }
0x81: {  	_ =	shalt  }
0x82: {  	_ =	shalt  }
0x83: {  	_ =	shalt  }
0x84: {  	_ =	shalt  }
0x85: {  	_ =	shalt  }
0x86: {  	_ =	shalt  }
0x87: {  	_ =	shalt  }
.Lfunc_end0:
.L_simem_size_0:
called_computation_lowered:
.L_overlay_start_0:
0x88: {  	s2 =	sld [smem:$0x3FD9]  }
0x89: {  	s3 =	sld [smem:$0x3FFE];
	_ =	sdelay $0x1  }
0x8a: {  	s1 =	srdreg.scid  }
0x8b: {  	s0 =	sand.u32 $0x1, s1  }
0x8c: {  	s16 =	sshll.u32 s0, $0xA;
	s2 =	sadd.s32 s3, s2  }
0x8d: {  	s2 =	sadd.s32 s2, s16  }
0x8e: {  	[smem:$0x3FC4] =	sst s2  }
0x8f: {  	_ = 	snop  }
0x90: {  	(tm) =	ssettm $0x1  }
0x91: {  	s17 =	sld [smem:$0x3FFB];
	_ =	sdelay $0x3  }
0x92: {  	_ =	strace s17  }
0x93: {  	s2 =	sld [smem:$0x3FFC];
	_ =	sdelay $0x3  }
0x94: {  	_ =	strace s2  }
0x95: {  	s2 =	sld [smem:$0x3FFD];
	_ =	sdelay $0x3  }
0x96: {  	_ =	strace s2  }
0x97: {  	_ =	strace $0x8FFFFFFF  }
0x98: {  	s18 =	sld [smem:$0x3FDB];
	_ =	sdelay $0x1  }
0x99: {  	s19 =	simm.s32 $_scs_section_size  }
0x9a: {  	s4 =	simm.s32 $_size__tile_overlayer_lowered;
	s5 =	simm.s32 $_tile_overlayer_lowered  }
0x9b: {  	s22 =	simm.s32 $0x1BFF;
	s21 =	sshll.u32 s5, $0x1;
	s2 =	sadd.s32 s19, s18  }
0x9c: {  	s6 =	simm.s32 $0x0;
	s20 =	sshll.u32 s4, $0x1;
	s4 =	sadd.s32 s21, s2  }
0x9d: {  	[timem:s6], [sflag:s22] =	dma.local [hbm:s4], s20  }
0x9e: {  	_ =	swait.ge [sflag:s22], s20  }
0x9f: {  	s3 =	ssub.s32 $0x0, s20;
	[sflag:s22] =	ssyncset.done $0x0  }
0xa0: {  	[sflag:s22] =	ssyncadd.s32 s3;
	_ =	sdelay $0x1  }
0xa1: {  	s23 =	simm.s32 $0x1B8B  }
0xa2: {  	_ =	swait.ge [sflag:s23], $0x1  }
0xa3: {  	[sflag:s23] =	ssyncset.done $0x0  }
0xa4: {  	s25 =	simm.s32 $0x1B8E;
	s24 =	sld [smem:$0x3FFE];
	[sflag:s23] =	ssyncadd.s32 $0xFFFFFFFF  }
0xa5: {  	s26 =	simm.s32 $execute0_lowered;
	[smem:$0x3FD2] =	sst s25  }
0xa6: {  	s4 =	sshll.u32 s26, $0x1;
	_ =	strace $0x80000046;
	[dreg:$0x1] =	wrdreg $0xFFFFFFFF  }
0xa7: {  	s28 =	simm.s32 $_size_execute0_lowered;
	s2 =	sadd.s32 s2, s4;
	[dreg:$0x0] =	wrdreg $0x0  }
0xa8: {  	s4 =	sshll.u32 s28, $0x1;
	[dreg:$0x2] =	wrdreg s2  }
0xa9: {  	[dreg:$0x3] =	wrdreg s4  }
0xaa: {  	[dreg:$0x4] =	wrdreg $0xC0  }
0xab: {  	_ =	task [dreg:s6], $0x5FFFF  }
0xac: {  	[dreg:$0x1] =	wrdreg $0xFFFFFFFF  }
0xad: {  	[dreg:$0x0] =	wrdreg $0x60  }
0xae: {  	[dreg:$0x2] =	wrdreg s24  }
0xaf: {  	[dreg:$0x3] =	wrdreg $0x9  }
0xb0: {  	_ =	task.clear_ibuf [dreg:s6], $0x4FFFF;
	_ =	strace $0x90000046  }
0xb1: {  	s29 =	simm.s32 $0x9;
	_ =	strace $0x80000048  }
0xb2: {  	_ =	swait.ge [sflag:s29], $0x1  }
0xb3: {  	[sflag:s29] =	ssyncadd.s32 $0xFFFFFFFF  }
0xb4: {  	_ =	strace $0x90000048  }
0xb5: {  	_ =	sfence  }
0xb6: {  	s30 =	sld [smem:$0x0];
	_ =	sdelay $0x2  }
0xb7: {  	s31 =	sshll.u32 s1, $0xD;
	s1 =	sshrl.u32 s1, $0x2  }
0xb8: {  	s3 =	sand.u32 $0x4000, s31;
	s1 =	sadd.s32 s1, s30  }
0xb9: {  	s0 =	sor.u32 s3, s0;
	s1 =	sshll.u32 s1, $0x11  }
0xba: {  	s0 =	sor.u32 s1, s0  }
0xbb: {  	s0 =	sadd.s32 $0x8F2B, s0  }
0xbc: {  	[sflag:s0] =	ssyncadd.remote.s32 $0x1  }
0xbd: {  	_ =	sfence.sel $0xFFFF  }
0xbe: {  	[dreg:$0x0] =	wrdreg $0xFFFFFFFF;
	(pc) =	sbr.abs _section_cstart, $3  }
0xbf: {  	[dreg:$0x1] =	wrdreg $0xFFFFFFFF  }
0xc0: {  	_ =	task.clear_ibuf [dreg:s6], $0x2FFFF;
	_ =	strace $0x9FFFFFFF  }
0xc1: {  	(tm) =	ssettm $0x7FFFFFFF  }
tec
execute0_lowered:
.L_overlay_start_1:
0x0: {  	(tag) =	ssettag $0x1  }
0x1: {  	s0 =	srdreg.scid  }
0x2: {  	s2 =	stileid.u32;
	s1 =	rddreg [dreg:$0x0]  }
0x3: {  	s11 =	simm.s32 $0x3;
	s12 =	simm.s32 $0x8000;
	s13 =	simm.s32 $0x8108  }
0x4: {  	s14 =	simm.s32 $0x8210;
	s15 =	simm.s32 $0x8318;
	s16 =	simm.s32 $0x8420  }
0x5: {  	s17 =	simm.s32 $0x8528;
	s18 =	simm.s32 $0x8630;
	s19 =	simm.s32 $0x8738  }
0x6: {  	s20 =	simm.s32 $0x8840;
	s21 =	simm.s32 $0x9840;
	s22 =	simm.s32 $0x1  }
0x7: {  	s23 =	simm.s32 $0x2;
	s24 =	simm.s32 $0x0;
	s0 =	sand.u32 $0x1, s0  }
0x8: {  	s3 =	sshll.u32 s2, $0x1;
	s2 =	simm.s32 $0x0;
	s4 =	sadd.s32 $0x20800, s1  }
0x9: {  	s5 =	sor.u32 s0, s3;
	[smem:$0x7FF] =	sst s2;
	s0 =	ssub.s32 $0x2, s0  }
0xa: {  	s3 =	sshll.u32 s5, $0xC;
	_ =	strace $0x80000047;
	s6 =	sshrl.u32 s0, $0x1  }
0xb: {  	s5 =	sshll.u32 s5, $0xF;
	s7 =	sadd.s32 s3, s1;
	s3 =	sadd.s32 $0x20600, s1  }
0xc: {  	s0 =	ssub.s32 s0, s6;
	s6 =	sadd.s32 $0x20A00, s1;
	s8 =	sadd.s32 s4, s5  }
0xd: {  	s7 =	sadd.s32 $0x600, s7;
	s9 =	sadd.s32 s5, s6;
	s10 =	smax.u32 s0, $0x1  }
.LBB2_1:
0xe: {  	[tilespmem:s2], [sflag:$0x3] =	stream.linear.gather [hbm4b:s7+s2], $0x8000, $0x38;
	[tilespmem:$0xA840] =	vst v63  }
0xf: {  	_ =	swait.ge [sflag:s11], $0x8000  }
0x10: {  	[sflag:s11] =	ssyncset.done $0x0  }
0x11: {  	[sflag:s11] =	ssyncadd.s32 $0xFFFF8000  }
0x12: {  	[tilespmem:s12], [sflag:$0x3] =	stream.linear.gather [hbm4b:s3+s2], $0x840, $0x38;
	[tilespmem:$0xA840] =	vst v63  }
0x13: {  	_ =	swait.ge [sflag:s11], $0x840  }
0x14: {  	[sflag:s11] =	ssyncset.done $0x0  }
0x15: {  	s0 =	simm.s32 $0x20;
	[sflag:s11] =	ssyncadd.s32 $0xFFFFF7C0  }
0x16: {  	v4 =	vld [tilespmem:s0+$0x10]  }
0x17: {  	v5 =	vld [tilespmem:s0+$0xFFFFFFF0]  }
0x18: {  	v6 =	vld [tilespmem:s0+$0xFFFFFFE0];
	_ =	sdelay $0x1  }
0x19: {  	v10 =	vld [tilespmem:s0+$0x0];
	_ =	sdelay $0x3  }
0x1a: {  	v0 =	vld.idx.msk [tilespmem:v4+s12+$0x0], $0xffff  }
0x1b: {  	v1 =	vld.idx.msk [tilespmem:v5+s12+$0x0], $0xffff  }
0x1c: {  	v3 =	vld.idx.msk [tilespmem:v6+s12+$0x0], $0xffff;
	_ =	sdelay $0x1  }
0x1d: {  	s25 =	simm.s32 $0x9040;
	v2 =	vld.idx.msk [tilespmem:v10+s12+$0x0], $0xffff  }
0x1e: {  	[tilespmem:s25+$0xFFFFF830] =	vst v0  }
0x1f: {  	[tilespmem:s25+$0xFFFFF810] =	vst v1;
	v0 =	vld.idx.msk [tilespmem:v4+s13+$0x0], $0xffff  }
0x20: {  	[tilespmem:s25+$0xFFFFF800] =	vst v3;
	v1 =	vld.idx.msk [tilespmem:v5+s13+$0x0], $0xffff  }
0x21: {  	v3 =	vld.idx.msk [tilespmem:v6+s13+$0x0], $0xffff  }
0x22: {  	[tilespmem:s25+$0xFFFFF820] =	vst v2  }
0x23: {  	v2 =	vld.idx.msk [tilespmem:v10+s13+$0x0], $0xffff  }
0x24: {  	[tilespmem:s25+$0xFFFFFA30] =	vst v0  }
0x25: {  	[tilespmem:s25+$0xFFFFFA10] =	vst v1;
	v0 =	vld.idx.msk [tilespmem:v4+s14+$0x0], $0xffff  }
0x26: {  	[tilespmem:s25+$0xFFFFFA00] =	vst v3;
	v1 =	vld.idx.msk [tilespmem:v5+s14+$0x0], $0xffff  }
0x27: {  	v3 =	vld.idx.msk [tilespmem:v6+s14+$0x0], $0xffff  }
0x28: {  	[tilespmem:s25+$0xFFFFFA20] =	vst v2  }
0x29: {  	v2 =	vld.idx.msk [tilespmem:v10+s14+$0x0], $0xffff  }
0x2a: {  	s31 =	simm.s32 $0x60;
	[tilespmem:s25+$0xFFFFFC30] =	vst v0  }
0x2b: {  	[tilespmem:s25+$0xFFFFFC10] =	vst v1;
	v1 =	vld [tilespmem:s31+$0x10]  }
0x2c: {  	[tilespmem:s25+$0xFFFFFC00] =	vst v3;
	v0 =	vld.idx.msk [tilespmem:v4+s15+$0x0], $0xffff  }
0x2d: {  	v3 =	vld.idx.msk [tilespmem:v6+s15+$0x0], $0xffff  }
0x2e: {  	[tilespmem:s25+$0xFFFFFC20] =	vst v2;
	v2 =	vld [tilespmem:s31+$0xFFFFFFF0]  }
0x2f: {  	v7 =	vld.idx.msk [tilespmem:v5+s15+$0x0], $0xffff  }
0x30: {  	v8 =	vld.idx.msk [tilespmem:v10+s15+$0x0], $0xffff  }
0x31: {  	[tilespmem:s25+$0xFFFFFE30] =	vst v0;
	v0 =	vld [tilespmem:s31+$0x0]  }
0x32: {  	[tilespmem:s25+$0xFFFFFE00] =	vst v3;
	v3 =	vld [tilespmem:s31+$0xFFFFFFE0]  }
0x33: {  	v9 =	vld.idx.msk [tilespmem:v4+s16+$0x0], $0xffff  }
0x34: {  	[tilespmem:s25+$0xFFFFFE10] =	vst v7;
	v7 =	vld.idx.msk [tilespmem:v6+s16+$0x0], $0xffff  }
0x35: {  	[tilespmem:s25+$0xFFFFFE20] =	vst v8;
	v8 =	vld.idx.msk [tilespmem:v5+s16+$0x0], $0xffff  }
0x36: {  	v11 =	vld.idx.msk [tilespmem:v10+s16+$0x0], $0xffff  }
0x37: {  	v12 =	vld.idx.msk [tilespmem:v1+s12+$0x0], $0xffff  }
0x38: {  	v13 =	vld.idx.msk [tilespmem:v2+s12+$0x0], $0xffff;
	[tilespmem:s25+$0x30] =	vst v9  }
0x39: {  	[tilespmem:s25+$0x0] =	vst v7;
	v9 =	vld.idx.msk [tilespmem:v4+s17+$0x0], $0xffff  }
0x3a: {  	[tilespmem:s25+$0x10] =	vst v8;
	v8 =	vld.idx.msk [tilespmem:v6+s17+$0x0], $0xffff  }
0x3b: {  	s26 =	simm.s32 $0x9080;
	[tilespmem:s25+$0x20] =	vst v11;
	v11 =	vld.idx.msk [tilespmem:v5+s17+$0x0], $0xffff  }
0x3c: {  	[tilespmem:s26+$0xFFFFF830] =	vst v12;
	v14 =	vld.idx.msk [tilespmem:v0+s12+$0x0], $0xffff  }
0x3d: {  	[tilespmem:s26+$0xFFFFF810] =	vst v13;
	v7 =	vld.idx.msk [tilespmem:v3+s12+$0x0], $0xffff  }
0x3e: {  	v12 =	vld.idx.msk [tilespmem:v1+s13+$0x0], $0xffff;
	[tilespmem:s25+$0x230] =	vst v9  }
0x3f: {  	v13 =	vld.idx.msk [tilespmem:v2+s13+$0x0], $0xffff;
	[tilespmem:s25+$0x200] =	vst v8  }
0x40: {  	[tilespmem:s25+$0x210] =	vst v11;
	v8 =	vld.idx.msk [tilespmem:v10+s17+$0x0], $0xffff  }
0x41: {  	v9 =	vld.idx.msk [tilespmem:v4+s18+$0x0], $0xffff;
	[tilespmem:s26+$0xFFFFF820] =	vst v14  }
0x42: {  	[tilespmem:s26+$0xFFFFF800] =	vst v7;
	v11 =	vld.idx.msk [tilespmem:v6+s18+$0x0], $0xffff  }
0x43: {  	[tilespmem:s26+$0xFFFFFA30] =	vst v12;
	v7 =	vld.idx.msk [tilespmem:v0+s13+$0x0], $0xffff  }
0x44: {  	[tilespmem:s26+$0xFFFFFA10] =	vst v13;
	v60 =	vld.idx.msk [tilespmem:v3+s13+$0x0], $0xffff  }
0x45: {  	v61 =	vld.idx.msk [tilespmem:v2+s14+$0x0], $0xffff;
	[tilespmem:s25+$0x220] =	vst v8  }
0x46: {  	[tilespmem:s25+$0x430] =	vst v9;
	v9 =	vld.idx.msk [tilespmem:v1+s14+$0x0], $0xffff  }
0x47: {  	[tilespmem:s25+$0x400] =	vst v11;
	v11 =	vld.idx.msk [tilespmem:v5+s18+$0x0], $0xffff  }
0x48: {  	v63 =	vld.idx.msk [tilespmem:v10+s18+$0x0], $0xffff  }
0x49: {  	v4 =	vld.idx.msk [tilespmem:v4+s19+$0x0], $0xffff;
	[tilespmem:s26+$0xFFFFFA20] =	vst v7  }
0x4a: {  	[tilespmem:s26+$0xFFFFFA00] =	vst v60;
	v7 =	vld.idx.msk [tilespmem:v0+s14+$0x0], $0xffff  }
0x4b: {  	[tilespmem:s26+$0xFFFFFC10] =	vst v61;
	v62 =	vld.idx.msk [tilespmem:v3+s14+$0x0], $0xffff  }
0x4c: {  	v15 =	vld.idx.msk [tilespmem:v6+s19+$0x0], $0xffff;
	[tilespmem:s26+$0xFFFFFC30] =	vst v9  }
0x4d: {  	v6 =	vld.idx.msk [tilespmem:v2+s15+$0x0], $0xffff;
	[tilespmem:s25+$0x410] =	vst v11  }
0x4e: {  	[tilespmem:s25+$0x630] =	vst v4;
	v8 =	vld.idx.msk [tilespmem:v1+s15+$0x0], $0xffff  }
0x4f: {  	v4 =	vld.idx.msk [tilespmem:v5+s19+$0x0], $0xffff;
	[tilespmem:s26+$0xFFFFFC20] =	vst v7  }
0x50: {  	[tilespmem:s26+$0xFFFFFC00] =	vst v62;
	v7 =	vld.idx.msk [tilespmem:v0+s15+$0x0], $0xffff  }
0x51: {  	[tilespmem:s25+$0x420] =	vst v63;
	v9 =	vld.idx.msk [tilespmem:v3+s15+$0x0], $0xffff  }
0x52: {  	s28 =	simm.s32 $0x4;
	s1 =	simm.s32 $0xA0;
	[tilespmem:s25+$0x600] =	vst v15;
	v5 =	vld.idx.msk [tilespmem:v10+s19+$0x0], $0xffff  }
.LBB2_2:
0x53: {  	v10 =	vld [tilespmem:s1+$0x10];
	[tilespmem:s26+$0xFFFFFE30] =	vst v8  }
0x54: {  	s28 =	sadd.s32 $0x4, s28;
	[tilespmem:s26+$0xFFFFFE10] =	vst v6;
	v6 =	vld.idx.msk [tilespmem:v1+s16+$0x0], $0xffff  }
0x55: {  	p0 =	slt.u32 s28, $0x1C;
	v11 =	vld [tilespmem:s1+$0xFFFFFFF0];
	[tilespmem:s26+$0xFFFFFE20] =	vst v7  }
0x56: {  	v12 =	vld [tilespmem:s1+$0x0];
	[tilespmem:s26+$0xFFFFFE00] =	vst v9  }
0x57: {  	v9 =	vld [tilespmem:s1+$0xFFFFFFE0];
	[tilespmem:s25+$0x610] =	vst v4  }
0x58: {  	v4 =	vld.idx.msk [tilespmem:v3+s16+$0x0], $0xffff;
	[tilespmem:s25+$0x620] =	vst v5;
	s25 =	smov.u32 s26  }
0x59: {  	v5 =	vld.idx.msk [tilespmem:v2+s16+$0x0], $0xffff  }
0x5a: {  	v7 =	vld.idx.msk [tilespmem:v0+s16+$0x0], $0xffff;
	[tilespmem:s26+$0x30] =	vst v6  }
0x5b: {  	v6 =	vld.idx.msk [tilespmem:v1+s17+$0x0], $0xffff  }
0x5c: {  	v8 =	vld.idx.msk [tilespmem:v10+s12+$0x0], $0xffff  }
0x5d: {  	v13 =	vld.idx.msk [tilespmem:v11+s12+$0x0], $0xffff  }
0x5e: {  	v14 =	vld.idx.msk [tilespmem:v12+s12+$0x0], $0xffff;
	[tilespmem:s26+$0x0] =	vst v4  }
0x5f: {  	v4 =	vld.idx.msk [tilespmem:v9+s12+$0x0], $0xffff;
	[tilespmem:s26+$0x10] =	vst v5  }
0x60: {  	v5 =	vld.idx.msk [tilespmem:v3+s17+$0x0], $0xffff;
	[tilespmem:s26+$0x20] =	vst v7  }
0x61: {  	s26 =	sadd.s32 $0x40, s26;
	v7 =	vld.idx.msk [tilespmem:v2+s17+$0x0], $0xffff;
	[tilespmem:s25+$0x230] =	vst v6  }
0x62: {  	[tilespmem:s26+$0xFFFFF830] =	vst v8;
	v6 =	vld.idx.msk [tilespmem:v1+s18+$0x0], $0xffff  }
0x63: {  	[tilespmem:s26+$0xFFFFF810] =	vst v13;
	v8 =	vld.idx.msk [tilespmem:v10+s13+$0x0], $0xffff  }
0x64: {  	v13 =	vld.idx.msk [tilespmem:v11+s13+$0x0], $0xffff;
	[tilespmem:s26+$0xFFFFF820] =	vst v14  }
0x65: {  	[tilespmem:s26+$0xFFFFF800] =	vst v4;
	v4 =	vld.idx.msk [tilespmem:v12+s13+$0x0], $0xffff  }
0x66: {  	v14 =	vld.idx.msk [tilespmem:v9+s13+$0x0], $0xffff;
	[tilespmem:s25+$0x200] =	vst v5  }
0x67: {  	[tilespmem:s25+$0x210] =	vst v7;
	v5 =	vld.idx.msk [tilespmem:v0+s17+$0x0], $0xffff  }
0x68: {  	v7 =	vld.idx.msk [tilespmem:v3+s18+$0x0], $0xffff;
	[tilespmem:s25+$0x430] =	vst v6  }
0x69: {  	[tilespmem:s26+$0xFFFFFA30] =	vst v8;
	v6 =	vld.idx.msk [tilespmem:v1+s19+$0x0], $0xffff;
	v1 =	vmov v10  }
0x6a: {  	[tilespmem:s26+$0xFFFFFA10] =	vst v13;
	v8 =	vld.idx.msk [tilespmem:v10+s14+$0x0], $0xffff  }
0x6b: {  	v10 =	vld.idx.msk [tilespmem:v11+s14+$0x0], $0xffff;
	[tilespmem:s26+$0xFFFFFA20] =	vst v4  }
0x6c: {  	[tilespmem:s26+$0xFFFFFA00] =	vst v14;
	v4 =	vld.idx.msk [tilespmem:v12+s14+$0x0], $0xffff  }
0x6d: {  	v13 =	vld.idx.msk [tilespmem:v9+s14+$0x0], $0xffff;
	[tilespmem:s25+$0x220] =	vst v5  }
0x6e: {  	[tilespmem:s25+$0x400] =	vst v7;
	v5 =	vld.idx.msk [tilespmem:v2+s18+$0x0], $0xffff  }
0x6f: {  	v14 =	vld.idx.msk [tilespmem:v0+s18+$0x0], $0xffff;
	[tilespmem:s25+$0x630] =	vst v6  }
0x70: {  	[tilespmem:s26+$0xFFFFFC30] =	vst v8;
	v15 =	vld.idx.msk [tilespmem:v3+s19+$0x0], $0xffff;
	v3 =	vmov v9  }
0x71: {  	[tilespmem:s26+$0xFFFFFC10] =	vst v10;
	v8 =	vld.idx.msk [tilespmem:v1+s15+$0x0], $0xffff  }
.Ltmp0:
0x72: {  	v6 =	vld.idx.msk [tilespmem:v11+s15+$0x0], $0xffff;
	[tilespmem:s26+$0xFFFFFC20] =	vst v4;
	(pc) =	sbr.rel @p0 .LBB2_2-.Ltmp0, $4  }
0x73: {  	[tilespmem:s26+$0xFFFFFC00] =	vst v13;
	v7 =	vld.idx.msk [tilespmem:v12+s15+$0x0], $0xffff  }
0x74: {  	v9 =	vld.idx.msk [tilespmem:v9+s15+$0x0], $0xffff;
	[tilespmem:s25+$0x410] =	vst v5  }
0x75: {  	v4 =	vld.idx.msk [tilespmem:v2+s19+$0x0], $0xffff;
	[tilespmem:s25+$0x420] =	vst v14;
	v2 =	vmov v11  }
0x76: {  	s1 =	sadd.s32 $0x40, s1;
	[tilespmem:s25+$0x600] =	vst v15;
	v5 =	vld.idx.msk [tilespmem:v0+s19+$0x0], $0xffff;
	v0 =	vmov v12  }
0x77: {  	_ =	sdelay $0x2  }
0x78: {  	[tilespmem:s26+$0xFFFFFE30] =	vst v8  }
0x79: {  	[tilespmem:s26+$0xFFFFFE10] =	vst v6;
	v8 =	vld.idx.msk [tilespmem:v1+s16+$0x0], $0xffff  }
0x7a: {  	[tilespmem:s26+$0xFFFFFE20] =	vst v7;
	v7 =	vld.idx.msk [tilespmem:v2+s16+$0x0], $0xffff  }
0x7b: {  	[tilespmem:s26+$0xFFFFFE00] =	vst v9;
	v9 =	vld.idx.msk [tilespmem:v0+s16+$0x0], $0xffff  }
0x7c: {  	v6 =	vld.idx.msk [tilespmem:v3+s16+$0x0], $0xffff;
	_ =	sdelay $0x1  }
0x7d: {  	[tilespmem:s26+$0x30] =	vst v8  }
0x7e: {  	[tilespmem:s26+$0x10] =	vst v7;
	v8 =	vld.idx.msk [tilespmem:v1+s17+$0x0], $0xffff  }
0x7f: {  	[tilespmem:s26+$0x20] =	vst v9;
	v7 =	vld.idx.msk [tilespmem:v2+s17+$0x0], $0xffff  }
0x80: {  	[tilespmem:s26+$0x0] =	vst v6;
	v9 =	vld.idx.msk [tilespmem:v0+s17+$0x0], $0xffff  }
0x81: {  	v6 =	vld.idx.msk [tilespmem:v3+s17+$0x0], $0xffff;
	_ =	sdelay $0x1  }
0x82: {  	[tilespmem:s26+$0x230] =	vst v8  }
0x83: {  	[tilespmem:s26+$0x210] =	vst v7;
	v8 =	vld.idx.msk [tilespmem:v1+s18+$0x0], $0xffff  }
0x84: {  	[tilespmem:s26+$0x220] =	vst v9;
	v7 =	vld.idx.msk [tilespmem:v2+s18+$0x0], $0xffff  }
0x85: {  	[tilespmem:s26+$0x200] =	vst v6;
	v9 =	vld.idx.msk [tilespmem:v0+s18+$0x0], $0xffff  }
0x86: {  	v6 =	vld.idx.msk [tilespmem:v3+s18+$0x0], $0xffff;
	_ =	sdelay $0x1  }
0x87: {  	[tilespmem:s26+$0x430] =	vst v8  }
0x88: {  	[tilespmem:s26+$0x410] =	vst v7;
	v1 =	vld.idx.msk [tilespmem:v1+s19+$0x0], $0xffff  }
0x89: {  	v2 =	vld.idx.msk [tilespmem:v2+s19+$0x0], $0xffff;
	[tilespmem:s26+$0x420] =	vst v9  }
0x8a: {  	[tilespmem:s26+$0x400] =	vst v6;
	v0 =	vld.idx.msk [tilespmem:v0+s19+$0x0], $0xffff  }
0x8b: {  	[tilespmem:s25+$0x610] =	vst v4;
	v3 =	vld.idx.msk [tilespmem:v3+s19+$0x0], $0xffff  }
0x8c: {  	[tilespmem:s25+$0x620] =	vst v5  }
0x8d: {  	[tilespmem:s26+$0x630] =	vst v1  }
0x8e: {  	[tilespmem:s26+$0x610] =	vst v2  }
0x8f: {  	[tilespmem:s26+$0x620] =	vst v0  }
0x90: {  	s0 =	simm.s32 $0x230;
	[tilespmem:s26+$0x600] =	vst v3  }
0x91: {  	[hbm4b:s8+s2] =	stream.linear.scatter [tilespmem:s20], [sflag:$0x1], $0x1000, $0x38;
	[tilespmem:$0xA840] =	vst v63  }
0x92: {  	v4 =	vld [tilespmem:s0+$0x0]  }
0x93: {  	v5 =	vld [tilespmem:s0+$0xFFFFFFE0]  }
0x94: {  	v6 =	vld [tilespmem:s0+$0xFFFFFFD0];
	_ =	sdelay $0x1  }
0x95: {  	v10 =	vld [tilespmem:s0+$0xFFFFFFF0];
	_ =	sdelay $0x3  }
0x96: {  	v0 =	vld.idx.msk [tilespmem:v4+s12+$0x0], $0xffff  }
0x97: {  	v1 =	vld.idx.msk [tilespmem:v5+s12+$0x0], $0xffff  }
0x98: {  	v3 =	vld.idx.msk [tilespmem:v6+s12+$0x0], $0xffff;
	_ =	sdelay $0x1  }
0x99: {  	s25 =	simm.s32 $0xA670;
	v2 =	vld.idx.msk [tilespmem:v10+s12+$0x0], $0xffff  }
0x9a: {  	[tilespmem:s25+$0xFFFFF200] =	vst v0  }
0x9b: {  	[tilespmem:s25+$0xFFFFF1E0] =	vst v1;
	v0 =	vld.idx.msk [tilespmem:v4+s13+$0x0], $0xffff  }
0x9c: {  	[tilespmem:s25+$0xFFFFF1D0] =	vst v3;
	v1 =	vld.idx.msk [tilespmem:v5+s13+$0x0], $0xffff  }
0x9d: {  	v3 =	vld.idx.msk [tilespmem:v6+s13+$0x0], $0xffff  }
0x9e: {  	[tilespmem:s25+$0xFFFFF1F0] =	vst v2  }
0x9f: {  	v2 =	vld.idx.msk [tilespmem:v10+s13+$0x0], $0xffff  }
0xa0: {  	[tilespmem:s25+$0xFFFFF400] =	vst v0  }
0xa1: {  	[tilespmem:s25+$0xFFFFF3E0] =	vst v1;
	v0 =	vld.idx.msk [tilespmem:v4+s14+$0x0], $0xffff  }
0xa2: {  	[tilespmem:s25+$0xFFFFF3D0] =	vst v3;
	v1 =	vld.idx.msk [tilespmem:v5+s14+$0x0], $0xffff  }
0xa3: {  	v3 =	vld.idx.msk [tilespmem:v6+s14+$0x0], $0xffff  }
0xa4: {  	[tilespmem:s25+$0xFFFFF3F0] =	vst v2  }
0xa5: {  	v2 =	vld.idx.msk [tilespmem:v10+s14+$0x0], $0xffff  }
0xa6: {  	s31 =	simm.s32 $0x270;
	[tilespmem:s25+$0xFFFFF600] =	vst v0  }
0xa7: {  	[tilespmem:s25+$0xFFFFF5E0] =	vst v1;
	v1 =	vld [tilespmem:s31+$0x0]  }
0xa8: {  	[tilespmem:s25+$0xFFFFF5D0] =	vst v3;
	v0 =	vld.idx.msk [tilespmem:v4+s15+$0x0], $0xffff  }
0xa9: {  	v3 =	vld.idx.msk [tilespmem:v6+s15+$0x0], $0xffff  }
0xaa: {  	[tilespmem:s25+$0xFFFFF5F0] =	vst v2;
	v2 =	vld [tilespmem:s31+$0xFFFFFFE0]  }
0xab: {  	v7 =	vld.idx.msk [tilespmem:v5+s15+$0x0], $0xffff  }
0xac: {  	v8 =	vld.idx.msk [tilespmem:v10+s15+$0x0], $0xffff  }
0xad: {  	[tilespmem:s25+$0xFFFFF800] =	vst v0;
	v0 =	vld [tilespmem:s31+$0xFFFFFFF0]  }
0xae: {  	[tilespmem:s25+$0xFFFFF7D0] =	vst v3;
	v3 =	vld [tilespmem:s31+$0xFFFFFFD0]  }
0xaf: {  	v9 =	vld.idx.msk [tilespmem:v4+s16+$0x0], $0xffff  }
0xb0: {  	[tilespmem:s25+$0xFFFFF7E0] =	vst v7;
	v7 =	vld.idx.msk [tilespmem:v6+s16+$0x0], $0xffff  }
0xb1: {  	[tilespmem:s25+$0xFFFFF7F0] =	vst v8;
	v8 =	vld.idx.msk [tilespmem:v5+s16+$0x0], $0xffff  }
0xb2: {  	v11 =	vld.idx.msk [tilespmem:v10+s16+$0x0], $0xffff  }
0xb3: {  	v12 =	vld.idx.msk [tilespmem:v1+s12+$0x0], $0xffff  }
0xb4: {  	v13 =	vld.idx.msk [tilespmem:v2+s12+$0x0], $0xffff;
	[tilespmem:s25+$0xFFFFFA00] =	vst v9  }
0xb5: {  	[tilespmem:s25+$0xFFFFF9D0] =	vst v7;
	v9 =	vld.idx.msk [tilespmem:v4+s17+$0x0], $0xffff  }
0xb6: {  	[tilespmem:s25+$0xFFFFF9E0] =	vst v8;
	v8 =	vld.idx.msk [tilespmem:v6+s17+$0x0], $0xffff  }
0xb7: {  	s26 =	simm.s32 $0xA6B0;
	[tilespmem:s25+$0xFFFFF9F0] =	vst v11;
	v11 =	vld.idx.msk [tilespmem:v5+s17+$0x0], $0xffff  }
0xb8: {  	[tilespmem:s26+$0xFFFFF200] =	vst v12;
	v14 =	vld.idx.msk [tilespmem:v0+s12+$0x0], $0xffff  }
0xb9: {  	[tilespmem:s26+$0xFFFFF1E0] =	vst v13;
	v7 =	vld.idx.msk [tilespmem:v3+s12+$0x0], $0xffff  }
0xba: {  	v12 =	vld.idx.msk [tilespmem:v1+s13+$0x0], $0xffff;
	[tilespmem:s25+$0xFFFFFC00] =	vst v9  }
0xbb: {  	v13 =	vld.idx.msk [tilespmem:v2+s13+$0x0], $0xffff;
	[tilespmem:s25+$0xFFFFFBD0] =	vst v8  }
0xbc: {  	[tilespmem:s25+$0xFFFFFBE0] =	vst v11;
	v8 =	vld.idx.msk [tilespmem:v10+s17+$0x0], $0xffff  }
0xbd: {  	v9 =	vld.idx.msk [tilespmem:v4+s18+$0x0], $0xffff;
	[tilespmem:s26+$0xFFFFF1F0] =	vst v14  }
0xbe: {  	[tilespmem:s26+$0xFFFFF1D0] =	vst v7;
	v11 =	vld.idx.msk [tilespmem:v6+s18+$0x0], $0xffff  }
0xbf: {  	[tilespmem:s26+$0xFFFFF400] =	vst v12;
	v7 =	vld.idx.msk [tilespmem:v0+s13+$0x0], $0xffff  }
0xc0: {  	[tilespmem:s26+$0xFFFFF3E0] =	vst v13;
	v60 =	vld.idx.msk [tilespmem:v3+s13+$0x0], $0xffff  }
0xc1: {  	v61 =	vld.idx.msk [tilespmem:v2+s14+$0x0], $0xffff;
	[tilespmem:s25+$0xFFFFFBF0] =	vst v8  }
0xc2: {  	[tilespmem:s25+$0xFFFFFE00] =	vst v9;
	v9 =	vld.idx.msk [tilespmem:v1+s14+$0x0], $0xffff  }
0xc3: {  	[tilespmem:s25+$0xFFFFFDD0] =	vst v11;
	v11 =	vld.idx.msk [tilespmem:v5+s18+$0x0], $0xffff  }
0xc4: {  	v63 =	vld.idx.msk [tilespmem:v10+s18+$0x0], $0xffff  }
0xc5: {  	v4 =	vld.idx.msk [tilespmem:v4+s19+$0x0], $0xffff;
	[tilespmem:s26+$0xFFFFF3F0] =	vst v7  }
0xc6: {  	[tilespmem:s26+$0xFFFFF3D0] =	vst v60;
	v7 =	vld.idx.msk [tilespmem:v0+s14+$0x0], $0xffff  }
0xc7: {  	[tilespmem:s26+$0xFFFFF5E0] =	vst v61;
	v62 =	vld.idx.msk [tilespmem:v3+s14+$0x0], $0xffff  }
0xc8: {  	v15 =	vld.idx.msk [tilespmem:v6+s19+$0x0], $0xffff;
	[tilespmem:s26+$0xFFFFF600] =	vst v9  }
0xc9: {  	v6 =	vld.idx.msk [tilespmem:v2+s15+$0x0], $0xffff;
	[tilespmem:s25+$0xFFFFFDE0] =	vst v11  }
0xca: {  	[tilespmem:s25+$0x0] =	vst v4;
	v8 =	vld.idx.msk [tilespmem:v1+s15+$0x0], $0xffff  }
0xcb: {  	v4 =	vld.idx.msk [tilespmem:v5+s19+$0x0], $0xffff;
	[tilespmem:s26+$0xFFFFF5F0] =	vst v7  }
0xcc: {  	[tilespmem:s26+$0xFFFFF5D0] =	vst v62;
	v7 =	vld.idx.msk [tilespmem:v0+s15+$0x0], $0xffff  }
0xcd: {  	[tilespmem:s25+$0xFFFFFDF0] =	vst v63;
	v9 =	vld.idx.msk [tilespmem:v3+s15+$0x0], $0xffff  }
0xce: {  	s28 =	simm.s32 $0x4;
	s1 =	simm.s32 $0x2B0;
	[tilespmem:s25+$0xFFFFFFD0] =	vst v15;
	v5 =	vld.idx.msk [tilespmem:v10+s19+$0x0], $0xffff  }
.LBB2_4:
0xcf: {  	v10 =	vld [tilespmem:s1+$0x0];
	[tilespmem:s26+$0xFFFFF800] =	vst v8  }
0xd0: {  	s28 =	sadd.s32 $0x4, s28;
	[tilespmem:s26+$0xFFFFF7E0] =	vst v6;
	v6 =	vld.idx.msk [tilespmem:v1+s16+$0x0], $0xffff  }
0xd1: {  	p0 =	slt.u32 s28, $0x1C;
	v11 =	vld [tilespmem:s1+$0xFFFFFFE0];
	[tilespmem:s26+$0xFFFFF7F0] =	vst v7  }
0xd2: {  	v12 =	vld [tilespmem:s1+$0xFFFFFFF0];
	[tilespmem:s26+$0xFFFFF7D0] =	vst v9  }
0xd3: {  	v9 =	vld [tilespmem:s1+$0xFFFFFFD0];
	[tilespmem:s25+$0xFFFFFFE0] =	vst v4  }
0xd4: {  	v4 =	vld.idx.msk [tilespmem:v3+s16+$0x0], $0xffff;
	[tilespmem:s25+$0xFFFFFFF0] =	vst v5;
	s25 =	smov.u32 s26  }
0xd5: {  	v5 =	vld.idx.msk [tilespmem:v2+s16+$0x0], $0xffff  }
0xd6: {  	v7 =	vld.idx.msk [tilespmem:v0+s16+$0x0], $0xffff;
	[tilespmem:s26+$0xFFFFFA00] =	vst v6  }
0xd7: {  	v6 =	vld.idx.msk [tilespmem:v1+s17+$0x0], $0xffff  }
0xd8: {  	v8 =	vld.idx.msk [tilespmem:v10+s12+$0x0], $0xffff  }
0xd9: {  	v13 =	vld.idx.msk [tilespmem:v11+s12+$0x0], $0xffff  }
0xda: {  	v14 =	vld.idx.msk [tilespmem:v12+s12+$0x0], $0xffff;
	[tilespmem:s26+$0xFFFFF9D0] =	vst v4  }
0xdb: {  	v4 =	vld.idx.msk [tilespmem:v9+s12+$0x0], $0xffff;
	[tilespmem:s26+$0xFFFFF9E0] =	vst v5  }
0xdc: {  	v5 =	vld.idx.msk [tilespmem:v3+s17+$0x0], $0xffff;
	[tilespmem:s26+$0xFFFFF9F0] =	vst v7  }
0xdd: {  	s26 =	sadd.s32 $0x40, s26;
	v7 =	vld.idx.msk [tilespmem:v2+s17+$0x0], $0xffff;
	[tilespmem:s25+$0xFFFFFC00] =	vst v6  }
0xde: {  	[tilespmem:s26+$0xFFFFF200] =	vst v8;
	v6 =	vld.idx.msk [tilespmem:v1+s18+$0x0], $0xffff  }
0xdf: {  	[tilespmem:s26+$0xFFFFF1E0] =	vst v13;
	v8 =	vld.idx.msk [tilespmem:v10+s13+$0x0], $0xffff  }
0xe0: {  	v13 =	vld.idx.msk [tilespmem:v11+s13+$0x0], $0xffff;
	[tilespmem:s26+$0xFFFFF1F0] =	vst v14  }
0xe1: {  	[tilespmem:s26+$0xFFFFF1D0] =	vst v4;
	v4 =	vld.idx.msk [tilespmem:v12+s13+$0x0], $0xffff  }
0xe2: {  	v14 =	vld.idx.msk [tilespmem:v9+s13+$0x0], $0xffff;
	[tilespmem:s25+$0xFFFFFBD0] =	vst v5  }
0xe3: {  	[tilespmem:s25+$0xFFFFFBE0] =	vst v7;
	v5 =	vld.idx.msk [tilespmem:v0+s17+$0x0], $0xffff  }
0xe4: {  	v7 =	vld.idx.msk [tilespmem:v3+s18+$0x0], $0xffff;
	[tilespmem:s25+$0xFFFFFE00] =	vst v6  }
0xe5: {  	[tilespmem:s26+$0xFFFFF400] =	vst v8;
	v6 =	vld.idx.msk [tilespmem:v1+s19+$0x0], $0xffff;
	v1 =	vmov v10  }
0xe6: {  	[tilespmem:s26+$0xFFFFF3E0] =	vst v13;
	v8 =	vld.idx.msk [tilespmem:v10+s14+$0x0], $0xffff  }
0xe7: {  	v10 =	vld.idx.msk [tilespmem:v11+s14+$0x0], $0xffff;
	[tilespmem:s26+$0xFFFFF3F0] =	vst v4  }
0xe8: {  	[tilespmem:s26+$0xFFFFF3D0] =	vst v14;
	v4 =	vld.idx.msk [tilespmem:v12+s14+$0x0], $0xffff  }
0xe9: {  	v13 =	vld.idx.msk [tilespmem:v9+s14+$0x0], $0xffff;
	[tilespmem:s25+$0xFFFFFBF0] =	vst v5  }
0xea: {  	[tilespmem:s25+$0xFFFFFDD0] =	vst v7;
	v5 =	vld.idx.msk [tilespmem:v2+s18+$0x0], $0xffff  }
0xeb: {  	v14 =	vld.idx.msk [tilespmem:v0+s18+$0x0], $0xffff;
	[tilespmem:s25+$0x0] =	vst v6  }
0xec: {  	[tilespmem:s26+$0xFFFFF600] =	vst v8;
	v15 =	vld.idx.msk [tilespmem:v3+s19+$0x0], $0xffff;
	v3 =	vmov v9  }
0xed: {  	[tilespmem:s26+$0xFFFFF5E0] =	vst v10;
	v8 =	vld.idx.msk [tilespmem:v1+s15+$0x0], $0xffff  }
.Ltmp1:
0xee: {  	v6 =	vld.idx.msk [tilespmem:v11+s15+$0x0], $0xffff;
	[tilespmem:s26+$0xFFFFF5F0] =	vst v4;
	(pc) =	sbr.rel @p0 .LBB2_4-.Ltmp1, $4  }
0xef: {  	[tilespmem:s26+$0xFFFFF5D0] =	vst v13;
	v7 =	vld.idx.msk [tilespmem:v12+s15+$0x0], $0xffff  }
0xf0: {  	v9 =	vld.idx.msk [tilespmem:v9+s15+$0x0], $0xffff;
	[tilespmem:s25+$0xFFFFFDE0] =	vst v5  }
0xf1: {  	v4 =	vld.idx.msk [tilespmem:v2+s19+$0x0], $0xffff;
	[tilespmem:s25+$0xFFFFFDF0] =	vst v14;
	v2 =	vmov v11  }
0xf2: {  	s1 =	sadd.s32 $0x40, s1;
	[tilespmem:s25+$0xFFFFFFD0] =	vst v15;
	v5 =	vld.idx.msk [tilespmem:v0+s19+$0x0], $0xffff;
	v0 =	vmov v12  }
0xf3: {  	_ =	sdelay $0x2  }
0xf4: {  	[tilespmem:s26+$0xFFFFF800] =	vst v8  }
0xf5: {  	[tilespmem:s26+$0xFFFFF7E0] =	vst v6;
	v8 =	vld.idx.msk [tilespmem:v1+s16+$0x0], $0xffff  }
0xf6: {  	[tilespmem:s26+$0xFFFFF7F0] =	vst v7;
	v58 =	vld.idx.msk [tilespmem:v2+s16+$0x0], $0xffff  }
0xf7: {  	[tilespmem:s26+$0xFFFFF7D0] =	vst v9;
	v59 =	vld.idx.msk [tilespmem:v0+s16+$0x0], $0xffff  }
0xf8: {  	v57 =	vld.idx.msk [tilespmem:v3+s16+$0x0], $0xffff;
	_ =	sdelay $0x1  }
0xf9: {  	[tilespmem:s26+$0xFFFFFA00] =	vst v8  }
0xfa: {  	[tilespmem:s26+$0xFFFFF9E0] =	vst v58;
	v8 =	vld.idx.msk [tilespmem:v1+s17+$0x0], $0xffff  }
0xfb: {  	[tilespmem:s26+$0xFFFFF9F0] =	vst v59;
	v7 =	vld.idx.msk [tilespmem:v2+s17+$0x0], $0xffff  }
0xfc: {  	[tilespmem:s26+$0xFFFFF9D0] =	vst v57;
	v9 =	vld.idx.msk [tilespmem:v0+s17+$0x0], $0xffff  }
0xfd: {  	v6 =	vld.idx.msk [tilespmem:v3+s17+$0x0], $0xffff;
	_ =	sdelay $0x1  }
0xfe: {  	[tilespmem:s26+$0xFFFFFC00] =	vst v8  }
0xff: {  	[tilespmem:s26+$0xFFFFFBE0] =	vst v7;
	v8 =	vld.idx.msk [tilespmem:v1+s18+$0x0], $0xffff  }
0x100: {  	[tilespmem:s26+$0xFFFFFBF0] =	vst v9;
	v7 =	vld.idx.msk [tilespmem:v2+s18+$0x0], $0xffff  }
0x101: {  	[tilespmem:s26+$0xFFFFFBD0] =	vst v6;
	v9 =	vld.idx.msk [tilespmem:v0+s18+$0x0], $0xffff  }
0x102: {  	v6 =	vld.idx.msk [tilespmem:v3+s18+$0x0], $0xffff;
	_ =	sdelay $0x1  }
0x103: {  	[tilespmem:s26+$0xFFFFFE00] =	vst v8  }
0x104: {  	[tilespmem:s26+$0xFFFFFDE0] =	vst v7;
	v60 =	vld.idx.msk [tilespmem:v1+s19+$0x0], $0xffff  }
0x105: {  	v62 =	vld.idx.msk [tilespmem:v2+s19+$0x0], $0xffff;
	[tilespmem:s26+$0xFFFFFDF0] =	vst v9  }
0x106: {  	[tilespmem:s26+$0xFFFFFDD0] =	vst v6;
	v63 =	vld.idx.msk [tilespmem:v0+s19+$0x0], $0xffff  }
0x107: {  	[tilespmem:s25+$0xFFFFFFE0] =	vst v4;
	v61 =	vld.idx.msk [tilespmem:v3+s19+$0x0], $0xffff  }
0x108: {  	[tilespmem:s25+$0xFFFFFFF0] =	vst v5  }
0x109: {  	[tilespmem:s26+$0x0] =	vst v60  }
0x10a: {  	[tilespmem:s26+$0xFFFFFFE0] =	vst v62  }
0x10b: {  	[tilespmem:s26+$0xFFFFFFF0] =	vst v63  }
0x10c: {  	s28 =	simm.s32 $0x630;
	s25 =	simm.s32 $0x1;
	[tilespmem:s26+$0xFFFFFFD0] =	vst v61;
	s26 =	simm.s32 $0x430  }
0x10d: {  	[hbm4b:s9+s2] =	stream.linear.scatter [tilespmem:s21], [sflag:$0x2], $0x1000, $0x38;
	[tilespmem:$0xA840] =	vst v63  }
.LBB2_6:
0x10e: {  	_ =	swait.ge [sflag:s22], $0x1000  }
0x10f: {  	[sflag:s22] =	ssyncset.done $0x0  }
0x110: {  	[sflag:s22] =	ssyncadd.s32 $0xFFFFF000  }
0x111: {  	v4 =	vld [tilespmem:s26+$0x0]  }
0x112: {  	v5 =	vld [tilespmem:s26+$0xFFFFFFE0]  }
0x113: {  	v6 =	vld [tilespmem:s26+$0xFFFFFFD0];
	_ =	sdelay $0x1  }
0x114: {  	v10 =	vld [tilespmem:s26+$0xFFFFFFF0];
	_ =	sdelay $0x3  }
0x115: {  	v0 =	vld.idx.msk [tilespmem:v4+s12+$0x0], $0xffff  }
0x116: {  	v1 =	vld.idx.msk [tilespmem:v5+s12+$0x0], $0xffff  }
0x117: {  	v3 =	vld.idx.msk [tilespmem:v6+s12+$0x0], $0xffff;
	_ =	sdelay $0x1  }
0x118: {  	s29 =	simm.s32 $0x9040;
	v2 =	vld.idx.msk [tilespmem:v10+s12+$0x0], $0xffff  }
0x119: {  	[tilespmem:s29+$0xFFFFF830] =	vst v0  }
0x11a: {  	[tilespmem:s29+$0xFFFFF810] =	vst v1;
	v0 =	vld.idx.msk [tilespmem:v4+s13+$0x0], $0xffff  }
0x11b: {  	[tilespmem:s29+$0xFFFFF800] =	vst v3;
	v1 =	vld.idx.msk [tilespmem:v5+s13+$0x0], $0xffff  }
0x11c: {  	v3 =	vld.idx.msk [tilespmem:v6+s13+$0x0], $0xffff  }
0x11d: {  	[tilespmem:s29+$0xFFFFF820] =	vst v2  }
0x11e: {  	v2 =	vld.idx.msk [tilespmem:v10+s13+$0x0], $0xffff  }
0x11f: {  	[tilespmem:s29+$0xFFFFFA30] =	vst v0  }
0x120: {  	[tilespmem:s29+$0xFFFFFA10] =	vst v1;
	v0 =	vld.idx.msk [tilespmem:v4+s14+$0x0], $0xffff  }
0x121: {  	[tilespmem:s29+$0xFFFFFA00] =	vst v3;
	v1 =	vld.idx.msk [tilespmem:v5+s14+$0x0], $0xffff  }
0x122: {  	v3 =	vld.idx.msk [tilespmem:v6+s14+$0x0], $0xffff  }
0x123: {  	[tilespmem:s29+$0xFFFFFA20] =	vst v2  }
0x124: {  	v2 =	vld.idx.msk [tilespmem:v10+s14+$0x0], $0xffff  }
0x125: {  	s0 =	sadd.s32 $0x40, s26;
	[tilespmem:s29+$0xFFFFFC30] =	vst v0  }
0x126: {  	[tilespmem:s29+$0xFFFFFC10] =	vst v1;
	v1 =	vld [tilespmem:s0+$0x0]  }
0x127: {  	[tilespmem:s29+$0xFFFFFC00] =	vst v3;
	v0 =	vld.idx.msk [tilespmem:v4+s15+$0x0], $0xffff  }
0x128: {  	v3 =	vld.idx.msk [tilespmem:v6+s15+$0x0], $0xffff  }
0x129: {  	[tilespmem:s29+$0xFFFFFC20] =	vst v2;
	v2 =	vld [tilespmem:s0+$0xFFFFFFE0]  }
0x12a: {  	v7 =	vld.idx.msk [tilespmem:v5+s15+$0x0], $0xffff  }
0x12b: {  	v8 =	vld.idx.msk [tilespmem:v10+s15+$0x0], $0xffff  }
0x12c: {  	[tilespmem:s29+$0xFFFFFE30] =	vst v0;
	v0 =	vld [tilespmem:s0+$0xFFFFFFF0]  }
0x12d: {  	[tilespmem:s29+$0xFFFFFE00] =	vst v3;
	v3 =	vld [tilespmem:s0+$0xFFFFFFD0]  }
0x12e: {  	v9 =	vld.idx.msk [tilespmem:v4+s16+$0x0], $0xffff  }
0x12f: {  	[tilespmem:s29+$0xFFFFFE10] =	vst v7;
	v7 =	vld.idx.msk [tilespmem:v6+s16+$0x0], $0xffff  }
0x130: {  	[tilespmem:s29+$0xFFFFFE20] =	vst v8;
	v8 =	vld.idx.msk [tilespmem:v5+s16+$0x0], $0xffff  }
0x131: {  	v11 =	vld.idx.msk [tilespmem:v10+s16+$0x0], $0xffff  }
0x132: {  	v12 =	vld.idx.msk [tilespmem:v1+s12+$0x0], $0xffff  }
0x133: {  	v13 =	vld.idx.msk [tilespmem:v2+s12+$0x0], $0xffff;
	[tilespmem:s29+$0x30] =	vst v9  }
0x134: {  	[tilespmem:s29+$0x0] =	vst v7;
	v9 =	vld.idx.msk [tilespmem:v4+s17+$0x0], $0xffff  }
0x135: {  	[tilespmem:s29+$0x10] =	vst v8;
	v8 =	vld.idx.msk [tilespmem:v6+s17+$0x0], $0xffff  }
0x136: {  	s30 =	simm.s32 $0x9080;
	[tilespmem:s29+$0x20] =	vst v11;
	v11 =	vld.idx.msk [tilespmem:v5+s17+$0x0], $0xffff  }
0x137: {  	[tilespmem:s30+$0xFFFFF830] =	vst v12;
	v14 =	vld.idx.msk [tilespmem:v0+s12+$0x0], $0xffff  }
0x138: {  	[tilespmem:s30+$0xFFFFF810] =	vst v13;
	v7 =	vld.idx.msk [tilespmem:v3+s12+$0x0], $0xffff  }
0x139: {  	v12 =	vld.idx.msk [tilespmem:v1+s13+$0x0], $0xffff;
	[tilespmem:s29+$0x230] =	vst v9  }
0x13a: {  	v13 =	vld.idx.msk [tilespmem:v2+s13+$0x0], $0xffff;
	[tilespmem:s29+$0x200] =	vst v8  }
0x13b: {  	[tilespmem:s29+$0x210] =	vst v11;
	v8 =	vld.idx.msk [tilespmem:v10+s17+$0x0], $0xffff  }
0x13c: {  	v9 =	vld.idx.msk [tilespmem:v4+s18+$0x0], $0xffff;
	[tilespmem:s30+$0xFFFFF820] =	vst v14  }
0x13d: {  	[tilespmem:s30+$0xFFFFF800] =	vst v7;
	v11 =	vld.idx.msk [tilespmem:v6+s18+$0x0], $0xffff  }
0x13e: {  	[tilespmem:s30+$0xFFFFFA30] =	vst v12;
	v7 =	vld.idx.msk [tilespmem:v0+s13+$0x0], $0xffff  }
0x13f: {  	[tilespmem:s30+$0xFFFFFA10] =	vst v13;
	v60 =	vld.idx.msk [tilespmem:v3+s13+$0x0], $0xffff  }
0x140: {  	v61 =	vld.idx.msk [tilespmem:v2+s14+$0x0], $0xffff;
	[tilespmem:s29+$0x220] =	vst v8  }
0x141: {  	[tilespmem:s29+$0x430] =	vst v9;
	v9 =	vld.idx.msk [tilespmem:v1+s14+$0x0], $0xffff  }
0x142: {  	[tilespmem:s29+$0x400] =	vst v11;
	v11 =	vld.idx.msk [tilespmem:v5+s18+$0x0], $0xffff  }
0x143: {  	v63 =	vld.idx.msk [tilespmem:v10+s18+$0x0], $0xffff  }
0x144: {  	v4 =	vld.idx.msk [tilespmem:v4+s19+$0x0], $0xffff;
	[tilespmem:s30+$0xFFFFFA20] =	vst v7  }
0x145: {  	[tilespmem:s30+$0xFFFFFA00] =	vst v60;
	v7 =	vld.idx.msk [tilespmem:v0+s14+$0x0], $0xffff  }
0x146: {  	[tilespmem:s30+$0xFFFFFC10] =	vst v61;
	v62 =	vld.idx.msk [tilespmem:v3+s14+$0x0], $0xffff  }
0x147: {  	v15 =	vld.idx.msk [tilespmem:v6+s19+$0x0], $0xffff;
	[tilespmem:s30+$0xFFFFFC30] =	vst v9  }
0x148: {  	v6 =	vld.idx.msk [tilespmem:v2+s15+$0x0], $0xffff;
	[tilespmem:s29+$0x410] =	vst v11  }
0x149: {  	[tilespmem:s29+$0x630] =	vst v4;
	v8 =	vld.idx.msk [tilespmem:v1+s15+$0x0], $0xffff  }
0x14a: {  	v4 =	vld.idx.msk [tilespmem:v5+s19+$0x0], $0xffff;
	[tilespmem:s30+$0xFFFFFC20] =	vst v7  }
0x14b: {  	[tilespmem:s30+$0xFFFFFC00] =	vst v62;
	v7 =	vld.idx.msk [tilespmem:v0+s15+$0x0], $0xffff  }
0x14c: {  	[tilespmem:s29+$0x420] =	vst v63;
	v9 =	vld.idx.msk [tilespmem:v3+s15+$0x0], $0xffff  }
0x14d: {  	s31 =	sshll.u32 s25, $0xA;
	s1 =	simm.s32 $0x4;
	s0 =	sadd.s32 $0x40, s0;
	[tilespmem:s29+$0x600] =	vst v15;
	v5 =	vld.idx.msk [tilespmem:v10+s19+$0x0], $0xffff  }
.LBB2_7:
0x14e: {  	v10 =	vld [tilespmem:s0+$0x0];
	[tilespmem:s30+$0xFFFFFE30] =	vst v8  }
0x14f: {  	s1 =	sadd.s32 $0x4, s1;
	[tilespmem:s30+$0xFFFFFE10] =	vst v6;
	v6 =	vld.idx.msk [tilespmem:v1+s16+$0x0], $0xffff  }
0x150: {  	p0 =	slt.u32 s1, $0x1C;
	v11 =	vld [tilespmem:s0+$0xFFFFFFE0];
	[tilespmem:s30+$0xFFFFFE20] =	vst v7  }
0x151: {  	v12 =	vld [tilespmem:s0+$0xFFFFFFF0];
	[tilespmem:s30+$0xFFFFFE00] =	vst v9  }
0x152: {  	v9 =	vld [tilespmem:s0+$0xFFFFFFD0];
	[tilespmem:s29+$0x610] =	vst v4  }
0x153: {  	v4 =	vld.idx.msk [tilespmem:v3+s16+$0x0], $0xffff;
	[tilespmem:s29+$0x620] =	vst v5;
	s29 =	smov.u32 s30  }
0x154: {  	v5 =	vld.idx.msk [tilespmem:v2+s16+$0x0], $0xffff  }
0x155: {  	v7 =	vld.idx.msk [tilespmem:v0+s16+$0x0], $0xffff;
	[tilespmem:s30+$0x30] =	vst v6  }
0x156: {  	v6 =	vld.idx.msk [tilespmem:v1+s17+$0x0], $0xffff  }
0x157: {  	v8 =	vld.idx.msk [tilespmem:v10+s12+$0x0], $0xffff  }
0x158: {  	v13 =	vld.idx.msk [tilespmem:v11+s12+$0x0], $0xffff  }
0x159: {  	v14 =	vld.idx.msk [tilespmem:v12+s12+$0x0], $0xffff;
	[tilespmem:s30+$0x0] =	vst v4  }
0x15a: {  	v4 =	vld.idx.msk [tilespmem:v9+s12+$0x0], $0xffff;
	[tilespmem:s30+$0x10] =	vst v5  }
0x15b: {  	v5 =	vld.idx.msk [tilespmem:v3+s17+$0x0], $0xffff;
	[tilespmem:s30+$0x20] =	vst v7  }
0x15c: {  	s30 =	sadd.s32 $0x40, s30;
	v7 =	vld.idx.msk [tilespmem:v2+s17+$0x0], $0xffff;
	[tilespmem:s29+$0x230] =	vst v6  }
0x15d: {  	[tilespmem:s30+$0xFFFFF830] =	vst v8;
	v6 =	vld.idx.msk [tilespmem:v1+s18+$0x0], $0xffff  }
0x15e: {  	[tilespmem:s30+$0xFFFFF810] =	vst v13;
	v8 =	vld.idx.msk [tilespmem:v10+s13+$0x0], $0xffff  }
0x15f: {  	v13 =	vld.idx.msk [tilespmem:v11+s13+$0x0], $0xffff;
	[tilespmem:s30+$0xFFFFF820] =	vst v14  }
0x160: {  	[tilespmem:s30+$0xFFFFF800] =	vst v4;
	v4 =	vld.idx.msk [tilespmem:v12+s13+$0x0], $0xffff  }
0x161: {  	v14 =	vld.idx.msk [tilespmem:v9+s13+$0x0], $0xffff;
	[tilespmem:s29+$0x200] =	vst v5  }
0x162: {  	[tilespmem:s29+$0x210] =	vst v7;
	v5 =	vld.idx.msk [tilespmem:v0+s17+$0x0], $0xffff  }
0x163: {  	v7 =	vld.idx.msk [tilespmem:v3+s18+$0x0], $0xffff;
	[tilespmem:s29+$0x430] =	vst v6  }
0x164: {  	[tilespmem:s30+$0xFFFFFA30] =	vst v8;
	v6 =	vld.idx.msk [tilespmem:v1+s19+$0x0], $0xffff;
	v1 =	vmov v10  }
0x165: {  	[tilespmem:s30+$0xFFFFFA10] =	vst v13;
	v8 =	vld.idx.msk [tilespmem:v10+s14+$0x0], $0xffff  }
0x166: {  	v10 =	vld.idx.msk [tilespmem:v11+s14+$0x0], $0xffff;
	[tilespmem:s30+$0xFFFFFA20] =	vst v4  }
0x167: {  	[tilespmem:s30+$0xFFFFFA00] =	vst v14;
	v4 =	vld.idx.msk [tilespmem:v12+s14+$0x0], $0xffff  }
0x168: {  	v13 =	vld.idx.msk [tilespmem:v9+s14+$0x0], $0xffff;
	[tilespmem:s29+$0x220] =	vst v5  }
0x169: {  	[tilespmem:s29+$0x400] =	vst v7;
	v5 =	vld.idx.msk [tilespmem:v2+s18+$0x0], $0xffff  }
0x16a: {  	v14 =	vld.idx.msk [tilespmem:v0+s18+$0x0], $0xffff;
	[tilespmem:s29+$0x630] =	vst v6  }
0x16b: {  	[tilespmem:s30+$0xFFFFFC30] =	vst v8;
	v15 =	vld.idx.msk [tilespmem:v3+s19+$0x0], $0xffff;
	v3 =	vmov v9  }
0x16c: {  	[tilespmem:s30+$0xFFFFFC10] =	vst v10;
	v8 =	vld.idx.msk [tilespmem:v1+s15+$0x0], $0xffff  }
.Ltmp2:
0x16d: {  	v6 =	vld.idx.msk [tilespmem:v11+s15+$0x0], $0xffff;
	[tilespmem:s30+$0xFFFFFC20] =	vst v4;
	(pc) =	sbr.rel @p0 .LBB2_7-.Ltmp2, $4  }
0x16e: {  	[tilespmem:s30+$0xFFFFFC00] =	vst v13;
	v7 =	vld.idx.msk [tilespmem:v12+s15+$0x0], $0xffff  }
0x16f: {  	v9 =	vld.idx.msk [tilespmem:v9+s15+$0x0], $0xffff;
	[tilespmem:s29+$0x410] =	vst v5  }
0x170: {  	v4 =	vld.idx.msk [tilespmem:v2+s19+$0x0], $0xffff;
	[tilespmem:s29+$0x420] =	vst v14;
	v2 =	vmov v11  }
0x171: {  	s0 =	sadd.s32 $0x40, s0;
	[tilespmem:s29+$0x600] =	vst v15;
	v5 =	vld.idx.msk [tilespmem:v0+s19+$0x0], $0xffff;
	v0 =	vmov v12  }
0x172: {  	_ =	sdelay $0x2  }
0x173: {  	[tilespmem:s30+$0xFFFFFE30] =	vst v8  }
0x174: {  	[tilespmem:s30+$0xFFFFFE10] =	vst v6;
	v8 =	vld.idx.msk [tilespmem:v1+s16+$0x0], $0xffff  }
0x175: {  	[tilespmem:s30+$0xFFFFFE20] =	vst v7;
	v7 =	vld.idx.msk [tilespmem:v2+s16+$0x0], $0xffff  }
0x176: {  	[tilespmem:s30+$0xFFFFFE00] =	vst v9;
	v9 =	vld.idx.msk [tilespmem:v0+s16+$0x0], $0xffff  }
0x177: {  	v6 =	vld.idx.msk [tilespmem:v3+s16+$0x0], $0xffff;
	_ =	sdelay $0x1  }
0x178: {  	[tilespmem:s30+$0x30] =	vst v8  }
0x179: {  	[tilespmem:s30+$0x10] =	vst v7;
	v8 =	vld.idx.msk [tilespmem:v1+s17+$0x0], $0xffff  }
0x17a: {  	[tilespmem:s30+$0x20] =	vst v9;
	v7 =	vld.idx.msk [tilespmem:v2+s17+$0x0], $0xffff  }
0x17b: {  	[tilespmem:s30+$0x0] =	vst v6;
	v9 =	vld.idx.msk [tilespmem:v0+s17+$0x0], $0xffff  }
0x17c: {  	v6 =	vld.idx.msk [tilespmem:v3+s17+$0x0], $0xffff;
	_ =	sdelay $0x1  }
0x17d: {  	[tilespmem:s30+$0x230] =	vst v8  }
0x17e: {  	[tilespmem:s30+$0x210] =	vst v7;
	v8 =	vld.idx.msk [tilespmem:v1+s18+$0x0], $0xffff  }
0x17f: {  	[tilespmem:s30+$0x220] =	vst v9;
	v7 =	vld.idx.msk [tilespmem:v2+s18+$0x0], $0xffff  }
0x180: {  	[tilespmem:s30+$0x200] =	vst v6;
	v9 =	vld.idx.msk [tilespmem:v0+s18+$0x0], $0xffff  }
0x181: {  	v6 =	vld.idx.msk [tilespmem:v3+s18+$0x0], $0xffff;
	_ =	sdelay $0x1  }
0x182: {  	[tilespmem:s30+$0x430] =	vst v8  }
0x183: {  	[tilespmem:s30+$0x410] =	vst v7;
	v1 =	vld.idx.msk [tilespmem:v1+s19+$0x0], $0xffff  }
0x184: {  	v2 =	vld.idx.msk [tilespmem:v2+s19+$0x0], $0xffff;
	[tilespmem:s30+$0x420] =	vst v9  }
0x185: {  	[tilespmem:s30+$0x400] =	vst v6;
	v0 =	vld.idx.msk [tilespmem:v0+s19+$0x0], $0xffff  }
0x186: {  	[tilespmem:s29+$0x610] =	vst v4;
	v3 =	vld.idx.msk [tilespmem:v3+s19+$0x0], $0xffff  }
0x187: {  	[tilespmem:s29+$0x620] =	vst v5  }
0x188: {  	[tilespmem:s30+$0x630] =	vst v1  }
0x189: {  	[tilespmem:s30+$0x610] =	vst v2  }
0x18a: {  	s29 =	sadd.s32 s5, s31;
	[tilespmem:s30+$0x620] =	vst v0  }
0x18b: {  	s0 =	sadd.s32 s4, s29;
	[tilespmem:s30+$0x600] =	vst v3  }
0x18c: {  	[hbm4b:s0+s2] =	stream.linear.scatter [tilespmem:s20], [sflag:$0x1], $0x1000, $0x38;
	[tilespmem:$0xA840] =	vst v63  }
0x18d: {  	_ =	swait.ge [sflag:s23], $0x1000  }
0x18e: {  	[sflag:s23] =	ssyncset.done $0x0  }
0x18f: {  	[sflag:s23] =	ssyncadd.s32 $0xFFFFF000  }
0x190: {  	v4 =	vld [tilespmem:s28+$0x0]  }
0x191: {  	v5 =	vld [tilespmem:s28+$0xFFFFFFE0]  }
0x192: {  	v6 =	vld [tilespmem:s28+$0xFFFFFFD0];
	_ =	sdelay $0x1  }
0x193: {  	v10 =	vld [tilespmem:s28+$0xFFFFFFF0];
	_ =	sdelay $0x3  }
0x194: {  	v0 =	vld.idx.msk [tilespmem:v4+s12+$0x0], $0xffff  }
0x195: {  	v1 =	vld.idx.msk [tilespmem:v5+s12+$0x0], $0xffff  }
0x196: {  	v3 =	vld.idx.msk [tilespmem:v6+s12+$0x0], $0xffff;
	_ =	sdelay $0x1  }
0x197: {  	s30 =	simm.s32 $0xA670;
	v2 =	vld.idx.msk [tilespmem:v10+s12+$0x0], $0xffff  }
0x198: {  	[tilespmem:s30+$0xFFFFF200] =	vst v0  }
0x199: {  	[tilespmem:s30+$0xFFFFF1E0] =	vst v1;
	v0 =	vld.idx.msk [tilespmem:v4+s13+$0x0], $0xffff  }
0x19a: {  	[tilespmem:s30+$0xFFFFF1D0] =	vst v3;
	v1 =	vld.idx.msk [tilespmem:v5+s13+$0x0], $0xffff  }
0x19b: {  	v3 =	vld.idx.msk [tilespmem:v6+s13+$0x0], $0xffff  }
0x19c: {  	[tilespmem:s30+$0xFFFFF1F0] =	vst v2  }
0x19d: {  	v2 =	vld.idx.msk [tilespmem:v10+s13+$0x0], $0xffff  }
0x19e: {  	[tilespmem:s30+$0xFFFFF400] =	vst v0  }
0x19f: {  	[tilespmem:s30+$0xFFFFF3E0] =	vst v1;
	v0 =	vld.idx.msk [tilespmem:v4+s14+$0x0], $0xffff  }
0x1a0: {  	[tilespmem:s30+$0xFFFFF3D0] =	vst v3;
	v1 =	vld.idx.msk [tilespmem:v5+s14+$0x0], $0xffff  }
0x1a1: {  	v3 =	vld.idx.msk [tilespmem:v6+s14+$0x0], $0xffff  }
0x1a2: {  	[tilespmem:s30+$0xFFFFF3F0] =	vst v2  }
0x1a3: {  	v2 =	vld.idx.msk [tilespmem:v10+s14+$0x0], $0xffff  }
0x1a4: {  	s0 =	sadd.s32 $0x40, s28;
	[tilespmem:s30+$0xFFFFF600] =	vst v0  }
0x1a5: {  	[tilespmem:s30+$0xFFFFF5E0] =	vst v1;
	v1 =	vld [tilespmem:s0+$0x0]  }
0x1a6: {  	[tilespmem:s30+$0xFFFFF5D0] =	vst v3;
	v0 =	vld.idx.msk [tilespmem:v4+s15+$0x0], $0xffff  }
0x1a7: {  	v3 =	vld.idx.msk [tilespmem:v6+s15+$0x0], $0xffff  }
0x1a8: {  	[tilespmem:s30+$0xFFFFF5F0] =	vst v2;
	v2 =	vld [tilespmem:s0+$0xFFFFFFE0]  }
0x1a9: {  	v7 =	vld.idx.msk [tilespmem:v5+s15+$0x0], $0xffff  }
0x1aa: {  	v8 =	vld.idx.msk [tilespmem:v10+s15+$0x0], $0xffff  }
0x1ab: {  	[tilespmem:s30+$0xFFFFF800] =	vst v0;
	v0 =	vld [tilespmem:s0+$0xFFFFFFF0]  }
0x1ac: {  	[tilespmem:s30+$0xFFFFF7D0] =	vst v3;
	v3 =	vld [tilespmem:s0+$0xFFFFFFD0]  }
0x1ad: {  	v9 =	vld.idx.msk [tilespmem:v4+s16+$0x0], $0xffff  }
0x1ae: {  	[tilespmem:s30+$0xFFFFF7E0] =	vst v7;
	v7 =	vld.idx.msk [tilespmem:v6+s16+$0x0], $0xffff  }
0x1af: {  	[tilespmem:s30+$0xFFFFF7F0] =	vst v8;
	v8 =	vld.idx.msk [tilespmem:v5+s16+$0x0], $0xffff  }
0x1b0: {  	v11 =	vld.idx.msk [tilespmem:v10+s16+$0x0], $0xffff  }
0x1b1: {  	v12 =	vld.idx.msk [tilespmem:v1+s12+$0x0], $0xffff  }
0x1b2: {  	v13 =	vld.idx.msk [tilespmem:v2+s12+$0x0], $0xffff;
	[tilespmem:s30+$0xFFFFFA00] =	vst v9  }
0x1b3: {  	[tilespmem:s30+$0xFFFFF9D0] =	vst v7;
	v9 =	vld.idx.msk [tilespmem:v4+s17+$0x0], $0xffff  }
0x1b4: {  	[tilespmem:s30+$0xFFFFF9E0] =	vst v8;
	v8 =	vld.idx.msk [tilespmem:v6+s17+$0x0], $0xffff  }
0x1b5: {  	s31 =	simm.s32 $0xA6B0;
	[tilespmem:s30+$0xFFFFF9F0] =	vst v11;
	v11 =	vld.idx.msk [tilespmem:v5+s17+$0x0], $0xffff  }
0x1b6: {  	[tilespmem:s31+$0xFFFFF200] =	vst v12;
	v14 =	vld.idx.msk [tilespmem:v0+s12+$0x0], $0xffff  }
0x1b7: {  	[tilespmem:s31+$0xFFFFF1E0] =	vst v13;
	v7 =	vld.idx.msk [tilespmem:v3+s12+$0x0], $0xffff  }
0x1b8: {  	v12 =	vld.idx.msk [tilespmem:v1+s13+$0x0], $0xffff;
	[tilespmem:s30+$0xFFFFFC00] =	vst v9  }
0x1b9: {  	v13 =	vld.idx.msk [tilespmem:v2+s13+$0x0], $0xffff;
	[tilespmem:s30+$0xFFFFFBD0] =	vst v8  }
0x1ba: {  	[tilespmem:s30+$0xFFFFFBE0] =	vst v11;
	v8 =	vld.idx.msk [tilespmem:v10+s17+$0x0], $0xffff  }
0x1bb: {  	v9 =	vld.idx.msk [tilespmem:v4+s18+$0x0], $0xffff;
	[tilespmem:s31+$0xFFFFF1F0] =	vst v14  }
0x1bc: {  	[tilespmem:s31+$0xFFFFF1D0] =	vst v7;
	v11 =	vld.idx.msk [tilespmem:v6+s18+$0x0], $0xffff  }
0x1bd: {  	[tilespmem:s31+$0xFFFFF400] =	vst v12;
	v7 =	vld.idx.msk [tilespmem:v0+s13+$0x0], $0xffff  }
0x1be: {  	[tilespmem:s31+$0xFFFFF3E0] =	vst v13;
	v60 =	vld.idx.msk [tilespmem:v3+s13+$0x0], $0xffff  }
0x1bf: {  	v61 =	vld.idx.msk [tilespmem:v2+s14+$0x0], $0xffff;
	[tilespmem:s30+$0xFFFFFBF0] =	vst v8  }
0x1c0: {  	[tilespmem:s30+$0xFFFFFE00] =	vst v9;
	v9 =	vld.idx.msk [tilespmem:v1+s14+$0x0], $0xffff  }
0x1c1: {  	[tilespmem:s30+$0xFFFFFDD0] =	vst v11;
	v11 =	vld.idx.msk [tilespmem:v5+s18+$0x0], $0xffff  }
0x1c2: {  	v63 =	vld.idx.msk [tilespmem:v10+s18+$0x0], $0xffff  }
0x1c3: {  	v4 =	vld.idx.msk [tilespmem:v4+s19+$0x0], $0xffff;
	[tilespmem:s31+$0xFFFFF3F0] =	vst v7  }
0x1c4: {  	[tilespmem:s31+$0xFFFFF3D0] =	vst v60;
	v7 =	vld.idx.msk [tilespmem:v0+s14+$0x0], $0xffff  }
0x1c5: {  	[tilespmem:s31+$0xFFFFF5E0] =	vst v61;
	v62 =	vld.idx.msk [tilespmem:v3+s14+$0x0], $0xffff  }
0x1c6: {  	v15 =	vld.idx.msk [tilespmem:v6+s19+$0x0], $0xffff;
	[tilespmem:s31+$0xFFFFF600] =	vst v9  }
0x1c7: {  	v6 =	vld.idx.msk [tilespmem:v2+s15+$0x0], $0xffff;
	[tilespmem:s30+$0xFFFFFDE0] =	vst v11  }
0x1c8: {  	[tilespmem:s30+$0x0] =	vst v4;
	v8 =	vld.idx.msk [tilespmem:v1+s15+$0x0], $0xffff  }
0x1c9: {  	v4 =	vld.idx.msk [tilespmem:v5+s19+$0x0], $0xffff;
	[tilespmem:s31+$0xFFFFF5F0] =	vst v7  }
0x1ca: {  	[tilespmem:s31+$0xFFFFF5D0] =	vst v62;
	v7 =	vld.idx.msk [tilespmem:v0+s15+$0x0], $0xffff  }
0x1cb: {  	[tilespmem:s30+$0xFFFFFDF0] =	vst v63;
	v9 =	vld.idx.msk [tilespmem:v3+s15+$0x0], $0xffff  }
0x1cc: {  	s1 =	simm.s32 $0x4;
	s0 =	sadd.s32 $0x40, s0;
	[tilespmem:s30+$0xFFFFFFD0] =	vst v15;
	v5 =	vld.idx.msk [tilespmem:v10+s19+$0x0], $0xffff  }
.LBB2_9:
0x1cd: {  	v10 =	vld [tilespmem:s0+$0x0];
	[tilespmem:s31+$0xFFFFF800] =	vst v8  }
0x1ce: {  	s1 =	sadd.s32 $0x4, s1;
	[tilespmem:s31+$0xFFFFF7E0] =	vst v6;
	v6 =	vld.idx.msk [tilespmem:v1+s16+$0x0], $0xffff  }
0x1cf: {  	p0 =	slt.u32 s1, $0x1C;
	v11 =	vld [tilespmem:s0+$0xFFFFFFE0];
	[tilespmem:s31+$0xFFFFF7F0] =	vst v7  }
0x1d0: {  	v12 =	vld [tilespmem:s0+$0xFFFFFFF0];
	[tilespmem:s31+$0xFFFFF7D0] =	vst v9  }
0x1d1: {  	v9 =	vld [tilespmem:s0+$0xFFFFFFD0];
	[tilespmem:s30+$0xFFFFFFE0] =	vst v4  }
0x1d2: {  	v4 =	vld.idx.msk [tilespmem:v3+s16+$0x0], $0xffff;
	[tilespmem:s30+$0xFFFFFFF0] =	vst v5;
	s30 =	smov.u32 s31  }
0x1d3: {  	v5 =	vld.idx.msk [tilespmem:v2+s16+$0x0], $0xffff  }
0x1d4: {  	v7 =	vld.idx.msk [tilespmem:v0+s16+$0x0], $0xffff;
	[tilespmem:s31+$0xFFFFFA00] =	vst v6  }
0x1d5: {  	v6 =	vld.idx.msk [tilespmem:v1+s17+$0x0], $0xffff  }
0x1d6: {  	v8 =	vld.idx.msk [tilespmem:v10+s12+$0x0], $0xffff  }
0x1d7: {  	v13 =	vld.idx.msk [tilespmem:v11+s12+$0x0], $0xffff  }
0x1d8: {  	v14 =	vld.idx.msk [tilespmem:v12+s12+$0x0], $0xffff;
	[tilespmem:s31+$0xFFFFF9D0] =	vst v4  }
0x1d9: {  	v4 =	vld.idx.msk [tilespmem:v9+s12+$0x0], $0xffff;
	[tilespmem:s31+$0xFFFFF9E0] =	vst v5  }
0x1da: {  	v5 =	vld.idx.msk [tilespmem:v3+s17+$0x0], $0xffff;
	[tilespmem:s31+$0xFFFFF9F0] =	vst v7  }
0x1db: {  	s31 =	sadd.s32 $0x40, s31;
	v7 =	vld.idx.msk [tilespmem:v2+s17+$0x0], $0xffff;
	[tilespmem:s30+$0xFFFFFC00] =	vst v6  }
0x1dc: {  	[tilespmem:s31+$0xFFFFF200] =	vst v8;
	v6 =	vld.idx.msk [tilespmem:v1+s18+$0x0], $0xffff  }
0x1dd: {  	[tilespmem:s31+$0xFFFFF1E0] =	vst v13;
	v8 =	vld.idx.msk [tilespmem:v10+s13+$0x0], $0xffff  }
0x1de: {  	v13 =	vld.idx.msk [tilespmem:v11+s13+$0x0], $0xffff;
	[tilespmem:s31+$0xFFFFF1F0] =	vst v14  }
0x1df: {  	[tilespmem:s31+$0xFFFFF1D0] =	vst v4;
	v4 =	vld.idx.msk [tilespmem:v12+s13+$0x0], $0xffff  }
0x1e0: {  	v14 =	vld.idx.msk [tilespmem:v9+s13+$0x0], $0xffff;
	[tilespmem:s30+$0xFFFFFBD0] =	vst v5  }
0x1e1: {  	[tilespmem:s30+$0xFFFFFBE0] =	vst v7;
	v5 =	vld.idx.msk [tilespmem:v0+s17+$0x0], $0xffff  }
0x1e2: {  	v7 =	vld.idx.msk [tilespmem:v3+s18+$0x0], $0xffff;
	[tilespmem:s30+$0xFFFFFE00] =	vst v6  }
0x1e3: {  	[tilespmem:s31+$0xFFFFF400] =	vst v8;
	v6 =	vld.idx.msk [tilespmem:v1+s19+$0x0], $0xffff;
	v1 =	vmov v10  }
0x1e4: {  	[tilespmem:s31+$0xFFFFF3E0] =	vst v13;
	v8 =	vld.idx.msk [tilespmem:v10+s14+$0x0], $0xffff  }
0x1e5: {  	v10 =	vld.idx.msk [tilespmem:v11+s14+$0x0], $0xffff;
	[tilespmem:s31+$0xFFFFF3F0] =	vst v4  }
0x1e6: {  	[tilespmem:s31+$0xFFFFF3D0] =	vst v14;
	v4 =	vld.idx.msk [tilespmem:v12+s14+$0x0], $0xffff  }
0x1e7: {  	v13 =	vld.idx.msk [tilespmem:v9+s14+$0x0], $0xffff;
	[tilespmem:s30+$0xFFFFFBF0] =	vst v5  }
0x1e8: {  	[tilespmem:s30+$0xFFFFFDD0] =	vst v7;
	v5 =	vld.idx.msk [tilespmem:v2+s18+$0x0], $0xffff  }
0x1e9: {  	v14 =	vld.idx.msk [tilespmem:v0+s18+$0x0], $0xffff;
	[tilespmem:s30+$0x0] =	vst v6  }
0x1ea: {  	[tilespmem:s31+$0xFFFFF600] =	vst v8;
	v15 =	vld.idx.msk [tilespmem:v3+s19+$0x0], $0xffff;
	v3 =	vmov v9  }
0x1eb: {  	[tilespmem:s31+$0xFFFFF5E0] =	vst v10;
	v8 =	vld.idx.msk [tilespmem:v1+s15+$0x0], $0xffff  }
.Ltmp3:
0x1ec: {  	v6 =	vld.idx.msk [tilespmem:v11+s15+$0x0], $0xffff;
	[tilespmem:s31+$0xFFFFF5F0] =	vst v4;
	(pc) =	sbr.rel @p0 .LBB2_9-.Ltmp3, $4  }
0x1ed: {  	[tilespmem:s31+$0xFFFFF5D0] =	vst v13;
	v7 =	vld.idx.msk [tilespmem:v12+s15+$0x0], $0xffff  }
0x1ee: {  	v9 =	vld.idx.msk [tilespmem:v9+s15+$0x0], $0xffff;
	[tilespmem:s30+$0xFFFFFDE0] =	vst v5  }
0x1ef: {  	v4 =	vld.idx.msk [tilespmem:v2+s19+$0x0], $0xffff;
	[tilespmem:s30+$0xFFFFFDF0] =	vst v14;
	v2 =	vmov v11  }
0x1f0: {  	s0 =	sadd.s32 $0x40, s0;
	[tilespmem:s30+$0xFFFFFFD0] =	vst v15;
	v5 =	vld.idx.msk [tilespmem:v0+s19+$0x0], $0xffff;
	v0 =	vmov v12  }
0x1f1: {  	_ =	sdelay $0x2  }
0x1f2: {  	[tilespmem:s31+$0xFFFFF800] =	vst v8  }
0x1f3: {  	[tilespmem:s31+$0xFFFFF7E0] =	vst v6;
	v8 =	vld.idx.msk [tilespmem:v1+s16+$0x0], $0xffff  }
0x1f4: {  	[tilespmem:s31+$0xFFFFF7F0] =	vst v7;
	v58 =	vld.idx.msk [tilespmem:v2+s16+$0x0], $0xffff  }
0x1f5: {  	[tilespmem:s31+$0xFFFFF7D0] =	vst v9;
	v59 =	vld.idx.msk [tilespmem:v0+s16+$0x0], $0xffff  }
0x1f6: {  	v57 =	vld.idx.msk [tilespmem:v3+s16+$0x0], $0xffff;
	_ =	sdelay $0x1  }
0x1f7: {  	[tilespmem:s31+$0xFFFFFA00] =	vst v8  }
0x1f8: {  	[tilespmem:s31+$0xFFFFF9E0] =	vst v58;
	v8 =	vld.idx.msk [tilespmem:v1+s17+$0x0], $0xffff  }
0x1f9: {  	[tilespmem:s31+$0xFFFFF9F0] =	vst v59;
	v7 =	vld.idx.msk [tilespmem:v2+s17+$0x0], $0xffff  }
0x1fa: {  	[tilespmem:s31+$0xFFFFF9D0] =	vst v57;
	v9 =	vld.idx.msk [tilespmem:v0+s17+$0x0], $0xffff  }
0x1fb: {  	v6 =	vld.idx.msk [tilespmem:v3+s17+$0x0], $0xffff;
	_ =	sdelay $0x1  }
0x1fc: {  	[tilespmem:s31+$0xFFFFFC00] =	vst v8  }
0x1fd: {  	[tilespmem:s31+$0xFFFFFBE0] =	vst v7;
	v8 =	vld.idx.msk [tilespmem:v1+s18+$0x0], $0xffff  }
0x1fe: {  	[tilespmem:s31+$0xFFFFFBF0] =	vst v9;
	v7 =	vld.idx.msk [tilespmem:v2+s18+$0x0], $0xffff  }
0x1ff: {  	[tilespmem:s31+$0xFFFFFBD0] =	vst v6;
	v9 =	vld.idx.msk [tilespmem:v0+s18+$0x0], $0xffff  }
0x200: {  	v6 =	vld.idx.msk [tilespmem:v3+s18+$0x0], $0xffff;
	_ =	sdelay $0x1  }
0x201: {  	[tilespmem:s31+$0xFFFFFE00] =	vst v8  }
0x202: {  	[tilespmem:s31+$0xFFFFFDE0] =	vst v7;
	v60 =	vld.idx.msk [tilespmem:v1+s19+$0x0], $0xffff  }
0x203: {  	v62 =	vld.idx.msk [tilespmem:v2+s19+$0x0], $0xffff;
	[tilespmem:s31+$0xFFFFFDF0] =	vst v9  }
0x204: {  	[tilespmem:s31+$0xFFFFFDD0] =	vst v6;
	v63 =	vld.idx.msk [tilespmem:v0+s19+$0x0], $0xffff  }
0x205: {  	s25 =	sadd.s32 $0x1, s25;
	[tilespmem:s30+$0xFFFFFFE0] =	vst v4;
	v61 =	vld.idx.msk [tilespmem:v3+s19+$0x0], $0xffff  }
0x206: {  	p0 =	sne.s32 s25, $0x20;
	[tilespmem:s30+$0xFFFFFFF0] =	vst v5  }
.Ltmp4:
0x207: {  	[tilespmem:s31+$0x0] =	vst v60;
	(pc) =	sbr.rel @p0 .LBB2_6-.Ltmp4, $4  }
0x208: {  	[tilespmem:s31+$0xFFFFFFE0] =	vst v62  }
0x209: {  	[tilespmem:s31+$0xFFFFFFF0] =	vst v63  }
0x20a: {  	s0 =	sadd.s32 s29, s6;
	s26 =	sadd.s32 $0x400, s26;
	s28 =	sadd.s32 $0x400, s28;
	[tilespmem:s31+$0xFFFFFFD0] =	vst v61  }
0x20b: {  	[hbm4b:s0+s2] =	stream.linear.scatter [tilespmem:s21], [sflag:$0x2], $0x1000, $0x38;
	[tilespmem:$0xA840] =	vst v63  }
0x20c: {  	s24 =	sadd.s32 $0x1, s24  }
0x20d: {  	_ =	swait.ge [sflag:s22], $0x1000;
	p0 =	sne.s32 s24, s10  }
.Ltmp5:
0x20e: {  	[sflag:s22] =	ssyncset.done $0x0;
	(pc) =	sbr.rel @p0 .LBB2_1-.Ltmp5, $4  }
0x20f: {  	[sflag:s22] =	ssyncadd.s32 $0xFFFFF000  }
0x210: {  	_ =	swait.ge [sflag:s23], $0x1000  }
0x211: {  	[sflag:s23] =	ssyncset.done $0x0  }
0x212: {  	[sflag:s23] =	ssyncadd.s32 $0xFFFFF000  }
0x213: {  	_ =	sfence.sel $0x180000  }
0x214: {  	[bflag:$0x0] =	sbarrier.arrive $0xFFFF  }
0x215: {  	_ =	strace $0x90000047  }
0x216: {  	s0 =	stileid.u32;
	[bflag:$0x2] =	sbarrier.arrive $0xFFFF  }
0x217: {  	p0 =	sne.s32 s0, $0x0;
	s0 =	rddreg [dreg:$0x1]  }
0x218: {  	s0 =	sadd.s32 @!p0 $0x100000, s0  }
0x219: {  	[sflag:s0] =	ssyncadd.tile.s32 @!p0 $0x1;
	_ =	shalt  }
.Lfunc_end2:
_tile_overlayer_lowered:
.L_overlay_start_2:
0x21a: {  	(tag) =	ssettag $0x2  }
0x21b: {  	s0 =	rddreg [dreg:$0x0];
	s2 =	stileid.u32  }
0x21c: {  	s1 =	rddreg [dreg:$0x1];
	p0 =	sne.s32 s2, $0x0  }
0x21d: {  	s3 =	rddreg [dreg:$0x2];
	[bflag:$0x3] =	sbarrier.arrive $0xFFFF;
	s2 =	simm.s32 @!p0 $0x1C03  }
0x21e: {  	[timem:s3], [sflag:s2] =	dma.local @!p0 [hbm:s0], s1  }
0x21f: {  	s0 =	simm.s32 @!p0 $0x3  }
0x220: {  	_ =	swait.ge @!p0 [sflag:s0], s1  }
0x221: {  	s1 =	ssub.s32 @!p0 $0x0, s1;
	[sflag:s0] =	ssyncset.done @!p0 $0x0  }
0x222: {  	[sflag:s0] =	ssyncadd.s32 @!p0 s1  }
0x223: {  	[bflag:$0x3] =	sbarrier.arrive $0xFFFF  }
0x224: {  	_ =	shalt  }

</sc_bundles>
